<compile_context>
chip_gen: v7x
topology: tpu7x:2x2x1
jax: 0.10.2.dev20260603
libtpu: 0.0.44.dev20260713+nightly
codegen_flags: <defaults>
</compile_context>

<pallas_src>
import functools

import jax
import jax.numpy as jnp
from jax import lax
from jax.experimental import pallas as pl
from jax.experimental.pallas import tpu as pltpu
from jax.experimental.pallas import tpu_sc as plsc

N_NODES = 10000
N_EDGES = 320000
NODE_DIM = 128
EDGE_DIM = 16
OUT_DIM = 128

_NC = 2
_NS = 16
_NW = _NC * _NS
_PER_W = N_EDGES // _NW
_C = 80
_NCHUNK = _PER_W // _C


def _tables_body(x_ref, w_ref, t1_ref, t2_ref):
    xv = x_ref[...]
    t1_ref[...] = jnp.dot(xv, w_ref[0:NODE_DIM, :],
                          preferred_element_type=jnp.float32)
    t2_ref[...] = jnp.dot(xv, w_ref[NODE_DIM:2 * NODE_DIM, :],
                          preferred_element_type=jnp.float32)


def _make_tables(x, W):
    return pl.pallas_call(
        _tables_body,
        out_shape=(
            jax.ShapeDtypeStruct((N_NODES, OUT_DIM), jnp.float32),
            jax.ShapeDtypeStruct((N_NODES, OUT_DIM), jnp.float32),
        ),
    )(x, W)


_sc_mesh = plsc.VectorSubcoreMesh(core_axis_name="c", subcore_axis_name="s")


@functools.partial(
    pl.kernel,
    out_type=jax.ShapeDtypeStruct((N_EDGES, OUT_DIM), jnp.float32),
    mesh=_sc_mesh,
    scratch_types=[
        pltpu.VMEM((_PER_W,), jnp.int32),
        pltpu.VMEM((_PER_W,), jnp.int32),
        pltpu.VMEM((3, _C, OUT_DIM), jnp.float32),
        pltpu.VMEM((3, _C, OUT_DIM), jnp.float32),
        [pltpu.SemaphoreType.DMA] * 3,
        [pltpu.SemaphoreType.DMA] * 3,
    ],
)
def _sc_gather_sum(t1_hbm, t2_hbm, src_hbm, dst_hbm, out_hbm,
                   idx_s, idx_d, buf_a, buf_b, sg, st):
    wid = lax.axis_index("s") * _NC + lax.axis_index("c")
    base = wid * _PER_W
    pltpu.sync_copy(src_hbm.at[pl.ds(base, _PER_W)], idx_s)
    pltpu.sync_copy(dst_hbm.at[pl.ds(base, _PER_W)], idx_d)

    def issue(ci, p):
        off = ci * _C
        pltpu.async_copy(t1_hbm.at[idx_s.at[pl.ds(off, _C)]],
                         buf_a.at[p], sg[p])
        pltpu.async_copy(t2_hbm.at[idx_d.at[pl.ds(off, _C)]],
                         buf_b.at[p], sg[p])

    def wait_gather(p):
        pltpu.make_async_copy(t1_hbm.at[idx_s.at[pl.ds(0, _C)]],
                              buf_a.at[p], sg[p]).wait()
        pltpu.make_async_copy(t2_hbm.at[idx_d.at[pl.ds(0, _C)]],
                              buf_b.at[p], sg[p]).wait()

    def wait_store(p):
        pltpu.make_async_copy(buf_a.at[p],
                              out_hbm.at[pl.ds(base, _C)], st[p]).wait()

    def add_store(ci, p):
        def row(r, c2):
            for k in range(OUT_DIM // 16):
                sl = pl.ds(k * 16, 16)
                plsc.addupdate(buf_a.at[p, r, sl], buf_b[p, r, sl])
            return c2

        lax.fori_loop(0, _C, row, 0)
        pltpu.async_copy(buf_a.at[p], out_hbm.at[pl.ds(base + ci * _C, _C)],
                         st[p])

    issue(0, 0)
    issue(1, 1)

    def trio(t, carry):
        for i in range(3):
            c = 3 * t + i
            q = (i + 2) % 3

            @pl.when(c + 2 <= _NCHUNK - 1)
            def _():
                @pl.when(c >= 1)
                def _():
                    wait_store(q)

                issue(c + 2, q)

            wait_gather(i)
            add_store(c, i)
        return carry

    lax.fori_loop(0, _NCHUNK // 3, trio, 0)
    wait_gather(0)
    add_store(_NCHUNK - 2, 0)
    wait_gather(1)
    add_store(_NCHUNK - 1, 1)
    wait_store(2)
    wait_store(0)
    wait_store(1)


_R = 12800


def _finish_body(g_ref, ea_ref, w3_ref, b_ref, out_ref):
    e = lax.dot_general(ea_ref[...], w3_ref[...],
                        dimension_numbers=(((0,), (0,)), ((), ())),
                        preferred_element_type=jnp.float32)
    out_ref[...] = g_ref[...] + e + b_ref[...]


def _finish(g, ea_t, W3, b2d):
    return pl.pallas_call(
        _finish_body,
        grid=(N_EDGES // _R,),
        in_specs=[
            pl.BlockSpec((_R, OUT_DIM), lambda i: (i, 0)),
            pl.BlockSpec((EDGE_DIM, _R), lambda i: (0, i)),
            pl.BlockSpec((EDGE_DIM, OUT_DIM), lambda i: (0, 0)),
            pl.BlockSpec((1, OUT_DIM), lambda i: (0, 0)),
        ],
        out_specs=pl.BlockSpec((_R, OUT_DIM), lambda i: (i, 0)),
        out_shape=jax.ShapeDtypeStruct((N_EDGES, OUT_DIM), jnp.float32),
    )(g, ea_t, W3, b2d)


def kernel(x, edge_index, edge_attr, W, b):
    src = edge_index[0].astype(jnp.int32)
    dst = edge_index[1].astype(jnp.int32)
    t1, t2 = _make_tables(x, W)
    g = _sc_gather_sum(t1, t2, src, dst)
    return _finish(g, edge_attr.T, W[2 * NODE_DIM:, :],
                   b.reshape(1, OUT_DIM))

# --- scband reference (transcript-rebuilt; emitter-appended) ---
"""Pipeline reference for scband-node2-edge-5557687681587 (READ-ONLY COPY).

The authoritative reference and input builder live on the scoring server;
editing this copy changes nothing except your own understanding.
"""

import jax, jax.numpy as jnp
import numpy as np

NODE_DIM = 128
EDGE_DIM = 16
OUT_DIM = 128
N_NODES = 10000
N_EDGES = 320000


def setup_inputs(seed: int = 0) -> dict:
    key = jax.random.key(seed)
    k_x, k_ei, k_ea, k_w, k_b = jax.random.split(key, 5)
    x = jax.random.normal(k_x, (N_NODES, NODE_DIM), dtype=jnp.float32)
    edge_index = jax.random.randint(k_ei, (2, N_EDGES), 0, N_NODES, dtype=jnp.int64)
    edge_attr = jax.random.normal(k_ea, (N_EDGES, EDGE_DIM), dtype=jnp.float32)
    in_feat = 2 * NODE_DIM + EDGE_DIM
    # nn.Linear default init: U(-1/sqrt(in), 1/sqrt(in))
    bound = 1.0 / np.sqrt(in_feat)
    W = jax.random.uniform(k_w, (in_feat, OUT_DIM), minval=-bound, maxval=bound, dtype=jnp.float32)
    b = jax.random.uniform(k_b, (OUT_DIM,), minval=-bound, maxval=bound, dtype=jnp.float32)
    return {"x": x, "edge_index": edge_index, "edge_attr": edge_attr, "W": W, "b": b}


def reference(x, edge_index, edge_attr, W, b):
    # h_i = x[edge_index[0]], h_j = x[edge_index[1]]  (gathers)
    h_i = jnp.take(x, edge_index[0], axis=0)
    h_j = jnp.take(x, edge_index[1], axis=0)
    inp = jnp.concatenate([h_i, h_j, edge_attr], axis=-1)
    return inp @ W + b

if __name__ == "__main__":
    import jax
    _d = setup_inputs()
    print(jax.jit(kernel)(*tuple(_d.values())))

</pallas_src>

<mosaic_0001>
#map = affine_map<(d0, d1) -> (0, 0)>
#map1 = affine_map<(d0, d1) -> (0)>
module attributes {stable_mosaic.version = 14 : i64} {
  func.func @_sc_gather_sum(%arg0: i32, %arg1: i32, %arg2: memref<10000x128xf32, #tpu.memory_space<hbm>>, %arg3: memref<10000x128xf32, #tpu.memory_space<hbm>>, %arg4: memref<320000xi32, #tpu.memory_space<hbm>>, %arg5: memref<320000xi32, #tpu.memory_space<hbm>>, %arg6: memref<320000x128xf32, #tpu.memory_space<hbm>>, %arg7: memref<10000xi32, #tpu.memory_space<vmem>>, %arg8: memref<10000xi32, #tpu.memory_space<vmem>>, %arg9: memref<3x80x128xf32, #tpu.memory_space<vmem>>, %arg10: memref<3x80x128xf32, #tpu.memory_space<vmem>>, %arg11: memref<!tpu.dma_semaphore, #tpu.memory_space<semaphore_mem>>, %arg12: memref<!tpu.dma_semaphore, #tpu.memory_space<semaphore_mem>>, %arg13: memref<!tpu.dma_semaphore, #tpu.memory_space<semaphore_mem>>, %arg14: memref<!tpu.dma_semaphore, #tpu.memory_space<semaphore_mem>>, %arg15: memref<!tpu.dma_semaphore, #tpu.memory_space<semaphore_mem>>, %arg16: memref<!tpu.dma_semaphore, #tpu.memory_space<semaphore_mem>>) attributes {dimension_semantics = [#tpu.dimension_semantics<core_parallel>, #tpu.dimension_semantics<subcore_parallel>], iteration_bounds = array<i64: 2, 16>, scalar_prefetch = 0 : i64, scratch_operands = 10 : i64, tpu.core_type = #tpu.core_type<sc_vector_subcore>, window_params = [{transform_indices = #map}, {transform_indices = #map}, {transform_indices = #map1}, {transform_indices = #map1}, {transform_indices = #map}]} {
    %mul3A = arith.constant 2 : i32
    %mul3A_0 = arith.muli %arg1, %mul3A : i32
    %add3A = arith.addi %mul3A_0, %arg0 : i32
    %mul3A_1 = arith.constant 10000 : i32
    %mul3A_2 = arith.muli %add3A, %mul3A_1 : i32
    "tpu.region"() ({
      %run_scoped3A = tpu.sem_alloc : memref<!tpu.dma_semaphore, #tpu.memory_space<semaphore_mem>>
      %dma_start3A_167 = tpu.memref_slice %arg4[%mul3A_2] : memref<320000xi32, #tpu.memory_space<hbm>> -> memref<10000xi32, #tpu.memory_space<hbm>>
      %dma_start3A_168 = tpu.memref_slice %arg4[%mul3A_2] : memref<320000xi32, #tpu.memory_space<hbm>> -> memref<10000xi32, #tpu.memory_space<hbm>>
      tpu.enqueue_dma source(%dma_start3A_168 : memref<10000xi32, #tpu.memory_space<hbm>>) target(%arg7 : memref<10000xi32, #tpu.memory_space<vmem>>) target_semaphore(%run_scoped3A : memref<!tpu.dma_semaphore, #tpu.memory_space<semaphore_mem>>)
      %dma_wait3A_169 = tpu.memref_slice %arg4[%mul3A_2] : memref<320000xi32, #tpu.memory_space<hbm>> -> memref<10000xi32, #tpu.memory_space<hbm>>
      %dma_wait3A_170 = tpu.memref_slice %arg4[%mul3A_2] : memref<320000xi32, #tpu.memory_space<hbm>> -> memref<10000xi32, #tpu.memory_space<hbm>>
      tpu.wait_dma2 semaphore(%run_scoped3A : memref<!tpu.dma_semaphore, #tpu.memory_space<semaphore_mem>>) src(%dma_wait3A_170 : memref<10000xi32, #tpu.memory_space<hbm>>) dst(%arg7 : memref<10000xi32, #tpu.memory_space<vmem>>)
      tpu.yield
    }) : () -> ()
    "tpu.region"() ({
      %run_scoped3A = tpu.sem_alloc : memref<!tpu.dma_semaphore, #tpu.memory_space<semaphore_mem>>
      %dma_start3A_167 = tpu.memref_slice %arg5[%mul3A_2] : memref<320000xi32, #tpu.memory_space<hbm>> -> memref<10000xi32, #tpu.memory_space<hbm>>
      %dma_start3A_168 = tpu.memref_slice %arg5[%mul3A_2] : memref<320000xi32, #tpu.memory_space<hbm>> -> memref<10000xi32, #tpu.memory_space<hbm>>
      tpu.enqueue_dma source(%dma_start3A_168 : memref<10000xi32, #tpu.memory_space<hbm>>) target(%arg8 : memref<10000xi32, #tpu.memory_space<vmem>>) target_semaphore(%run_scoped3A : memref<!tpu.dma_semaphore, #tpu.memory_space<semaphore_mem>>)
      %dma_wait3A_169 = tpu.memref_slice %arg5[%mul3A_2] : memref<320000xi32, #tpu.memory_space<hbm>> -> memref<10000xi32, #tpu.memory_space<hbm>>
      %dma_wait3A_170 = tpu.memref_slice %arg5[%mul3A_2] : memref<320000xi32, #tpu.memory_space<hbm>> -> memref<10000xi32, #tpu.memory_space<hbm>>
      tpu.wait_dma2 semaphore(%run_scoped3A : memref<!tpu.dma_semaphore, #tpu.memory_space<semaphore_mem>>) src(%dma_wait3A_170 : memref<10000xi32, #tpu.memory_space<hbm>>) dst(%arg8 : memref<10000xi32, #tpu.memory_space<vmem>>)
      tpu.yield
    }) : () -> ()
    %dma_start3A = arith.constant 0 : i32
    %dma_start3A_3 = arith.constant 0 : i32
    %dma_start3A_4 = arith.constant 0 : i32
    %dma_start3A_5 = tpu.memref_slice %arg9[%dma_start3A, %dma_start3A_3, %dma_start3A_4] : memref<3x80x128xf32, #tpu.memory_space<vmem>> -> memref<1x80x128xf32, #tpu.memory_space<vmem>>
    %dma_start3A_6 = tpu.memref_squeeze %dma_start3A_5 : memref<1x80x128xf32, #tpu.memory_space<vmem>> -> memref<80x128xf32, #tpu.memory_space<vmem>>
    %dma_start3A_7 = arith.constant 0 : i32
    %dma_start3A_8 = tpu.memref_slice %arg7[%dma_start3A_7] : memref<10000xi32, #tpu.memory_space<vmem>> -> memref<80xi32, #tpu.memory_space<vmem>>
    %dma_start3A_9 = arith.constant 0 : i32
    %dma_start3A_10 = arith.constant 0 : i32
    %dma_start3A_11 = tpu.memref_slice %arg2[%dma_start3A_9, %dma_start3A_10] : memref<10000x128xf32, #tpu.memory_space<hbm>> -> memref<10000x128xf32, #tpu.memory_space<hbm>>
    tpu.enqueue_indirect_dma source(%dma_start3A_11 : memref<10000x128xf32, #tpu.memory_space<hbm>>) target(%dma_start3A_6 : memref<80x128xf32, #tpu.memory_space<vmem>>) offsets(%dma_start3A_8 : memref<80xi32, #tpu.memory_space<vmem>>) semaphore(%arg11 : memref<!tpu.dma_semaphore, #tpu.memory_space<semaphore_mem>>)
    %dma_start3A_12 = arith.constant 0 : i32
    %dma_start3A_13 = arith.constant 0 : i32
    %dma_start3A_14 = arith.constant 0 : i32
    %dma_start3A_15 = tpu.memref_slice %arg10[%dma_start3A_12, %dma_start3A_13, %dma_start3A_14] : memref<3x80x128xf32, #tpu.memory_space<vmem>> -> memref<1x80x128xf32, #tpu.memory_space<vmem>>
    %dma_start3A_16 = tpu.memref_squeeze %dma_start3A_15 : memref<1x80x128xf32, #tpu.memory_space<vmem>> -> memref<80x128xf32, #tpu.memory_space<vmem>>
    %dma_start3A_17 = arith.constant 0 : i32
    %dma_start3A_18 = tpu.memref_slice %arg8[%dma_start3A_17] : memref<10000xi32, #tpu.memory_space<vmem>> -> memref<80xi32, #tpu.memory_space<vmem>>
    %dma_start3A_19 = arith.constant 0 : i32
    %dma_start3A_20 = arith.constant 0 : i32
    %dma_start3A_21 = tpu.memref_slice %arg3[%dma_start3A_19, %dma_start3A_20] : memref<10000x128xf32, #tpu.memory_space<hbm>> -> memref<10000x128xf32, #tpu.memory_space<hbm>>
    tpu.enqueue_indirect_dma source(%dma_start3A_21 : memref<10000x128xf32, #tpu.memory_space<hbm>>) target(%dma_start3A_16 : memref<80x128xf32, #tpu.memory_space<vmem>>) offsets(%dma_start3A_18 : memref<80xi32, #tpu.memory_space<vmem>>) semaphore(%arg11 : memref<!tpu.dma_semaphore, #tpu.memory_space<semaphore_mem>>)
    %dma_start3A_22 = arith.constant 1 : i32
    %dma_start3A_23 = arith.constant 0 : i32
    %dma_start3A_24 = arith.constant 0 : i32
    %dma_start3A_25 = tpu.memref_slice %arg9[%dma_start3A_22, %dma_start3A_23, %dma_start3A_24] : memref<3x80x128xf32, #tpu.memory_space<vmem>> -> memref<1x80x128xf32, #tpu.memory_space<vmem>>
    %dma_start3A_26 = tpu.memref_squeeze %dma_start3A_25 : memref<1x80x128xf32, #tpu.memory_space<vmem>> -> memref<80x128xf32, #tpu.memory_space<vmem>>
    %dma_start3A_27 = arith.constant 80 : i32
    %dma_start3A_28 = tpu.memref_slice %arg7[%dma_start3A_27] : memref<10000xi32, #tpu.memory_space<vmem>> -> memref<80xi32, #tpu.memory_space<vmem>>
    %dma_start3A_29 = arith.constant 0 : i32
    %dma_start3A_30 = arith.constant 0 : i32
    %dma_start3A_31 = tpu.memref_slice %arg2[%dma_start3A_29, %dma_start3A_30] : memref<10000x128xf32, #tpu.memory_space<hbm>> -> memref<10000x128xf32, #tpu.memory_space<hbm>>
    tpu.enqueue_indirect_dma source(%dma_start3A_31 : memref<10000x128xf32, #tpu.memory_space<hbm>>) target(%dma_start3A_26 : memref<80x128xf32, #tpu.memory_space<vmem>>) offsets(%dma_start3A_28 : memref<80xi32, #tpu.memory_space<vmem>>) semaphore(%arg12 : memref<!tpu.dma_semaphore, #tpu.memory_space<semaphore_mem>>)
    %dma_start3A_32 = arith.constant 1 : i32
    %dma_start3A_33 = arith.constant 0 : i32
    %dma_start3A_34 = arith.constant 0 : i32
    %dma_start3A_35 = tpu.memref_slice %arg10[%dma_start3A_32, %dma_start3A_33, %dma_start3A_34] : memref<3x80x128xf32, #tpu.memory_space<vmem>> -> memref<1x80x128xf32, #tpu.memory_space<vmem>>
    %dma_start3A_36 = tpu.memref_squeeze %dma_start3A_35 : memref<1x80x128xf32, #tpu.memory_space<vmem>> -> memref<80x128xf32, #tpu.memory_space<vmem>>
    %dma_start3A_37 = arith.constant 80 : i32
    %dma_start3A_38 = tpu.memref_slice %arg8[%dma_start3A_37] : memref<10000xi32, #tpu.memory_space<vmem>> -> memref<80xi32, #tpu.memory_space<vmem>>
    %dma_start3A_39 = arith.constant 0 : i32
    %dma_start3A_40 = arith.constant 0 : i32
    %dma_start3A_41 = tpu.memref_slice %arg3[%dma_start3A_39, %dma_start3A_40] : memref<10000x128xf32, #tpu.memory_space<hbm>> -> memref<10000x128xf32, #tpu.memory_space<hbm>>
    tpu.enqueue_indirect_dma source(%dma_start3A_41 : memref<10000x128xf32, #tpu.memory_space<hbm>>) target(%dma_start3A_36 : memref<80x128xf32, #tpu.memory_space<vmem>>) offsets(%dma_start3A_38 : memref<80xi32, #tpu.memory_space<vmem>>) semaphore(%arg12 : memref<!tpu.dma_semaphore, #tpu.memory_space<semaphore_mem>>)
    %scan3A = arith.constant 0 : i32
    %scan3A_42 = arith.constant 0 : i32
    %scan3A_43 = arith.constant 41 : i32
    %scan3A_44 = arith.addi %scan3A_42, %scan3A_43 : i32
    %scan3A_45 = arith.constant 1 : i32
    scf.for %scan3A_167 = %scan3A_42 to %scan3A_44 step %scan3A_45  : i32 {
      %mul3A_168 = arith.constant 3 : i32
      %mul3A_169 = arith.muli %mul3A_168, %scan3A_167 : i32
      %add3A_170 = arith.constant 0 : i32
      %add3A_171 = arith.addi %mul3A_169, %add3A_170 : i32
      %add3A_172 = arith.constant 2 : i32
      %add3A_173 = arith.addi %add3A_171, %add3A_172 : i32
      %le3A = arith.constant 124 : i32
      %le3A_174 = arith.cmpi sle, %add3A_173, %le3A : i32
      %convert_element_type3A = arith.extui %le3A_174 : i1 to i32
      %cond3A = arith.constant 0 : i32
      %cond3A_175 = arith.cmpi ne, %convert_element_type3A, %cond3A : i32
      scf.if %cond3A_175 {
        %ge3A = arith.constant 1 : i32
        %ge3A_324 = arith.cmpi sge, %add3A_171, %ge3A : i32
        %convert_element_type3A_325 = arith.extui %ge3A_324 : i1 to i32
        %cond3A_326 = arith.constant 0 : i32
        %cond3A_327 = arith.cmpi ne, %convert_element_type3A_325, %cond3A_326 : i32
        scf.if %cond3A_327 {
          %dma_wait3A_350 = arith.constant 2 : i32
          %dma_wait3A_351 = arith.constant 0 : i32
          %dma_wait3A_352 = arith.constant 0 : i32
          %dma_wait3A_353 = tpu.memref_slice %arg9[%dma_wait3A_350, %dma_wait3A_351, %dma_wait3A_352] : memref<3x80x128xf32, #tpu.memory_space<vmem>> -> memref<1x80x128xf32, #tpu.memory_space<vmem>>
          %dma_wait3A_354 = tpu.memref_squeeze %dma_wait3A_353 : memref<1x80x128xf32, #tpu.memory_space<vmem>> -> memref<80x128xf32, #tpu.memory_space<vmem>>
          %dma_wait3A_355 = arith.constant 0 : i32
          %dma_wait3A_356 = tpu.memref_slice %arg6[%mul3A_2, %dma_wait3A_355] : memref<320000x128xf32, #tpu.memory_space<hbm>> -> memref<80x128xf32, #tpu.memory_space<hbm>>
          %dma_wait3A_357 = arith.constant 0 : i32
          %dma_wait3A_358 = tpu.memref_slice %arg6[%mul3A_2, %dma_wait3A_357] : memref<320000x128xf32, #tpu.memory_space<hbm>> -> memref<80x128xf32, #tpu.memory_space<hbm>>
          %dma_wait3A_359 = arith.constant 0 : i32
          %dma_wait3A_360 = arith.constant 0 : i32
          %dma_wait3A_361 = tpu.memref_slice %arg9[%dma_wait3A_350, %dma_wait3A_359, %dma_wait3A_360] : memref<3x80x128xf32, #tpu.memory_space<vmem>> -> memref<1x80x128xf32, #tpu.memory_space<vmem>>
          %dma_wait3A_362 = tpu.memref_squeeze %dma_wait3A_361 : memref<1x80x128xf32, #tpu.memory_space<vmem>> -> memref<80x128xf32, #tpu.memory_space<vmem>>
          tpu.wait_dma2 semaphore(%arg16 : memref<!tpu.dma_semaphore, #tpu.memory_space<semaphore_mem>>) src(%dma_wait3A_362 : memref<80x128xf32, #tpu.memory_space<vmem>>) dst(%dma_wait3A_358 : memref<80x128xf32, #tpu.memory_space<hbm>>)
        } else {
        }
        %add3A_328 = arith.constant 2 : i32
        %add3A_329 = arith.addi %add3A_171, %add3A_328 : i32
        %mul3A_330 = arith.constant 80 : i32
        %mul3A_331 = arith.muli %add3A_329, %mul3A_330 : i32
        %dma_start3A_332 = arith.constant 2 : i32
        %dma_start3A_333 = arith.constant 0 : i32
        %dma_start3A_334 = arith.constant 0 : i32
        %dma_start3A_335 = tpu.memref_slice %arg9[%dma_start3A_332, %dma_start3A_333, %dma_start3A_334] : memref<3x80x128xf32, #tpu.memory_space<vmem>> -> memref<1x80x128xf32, #tpu.memory_space<vmem>>
        %dma_start3A_336 = tpu.memref_squeeze %dma_start3A_335 : memref<1x80x128xf32, #tpu.memory_space<vmem>> -> memref<80x128xf32, #tpu.memory_space<vmem>>
        %dma_start3A_337 = tpu.memref_slice %arg7[%mul3A_331] : memref<10000xi32, #tpu.memory_space<vmem>> -> memref<80xi32, #tpu.memory_space<vmem>>
        %dma_start3A_338 = arith.constant 0 : i32
        %dma_start3A_339 = arith.constant 0 : i32
        %dma_start3A_340 = tpu.memref_slice %arg2[%dma_start3A_338, %dma_start3A_339] : memref<10000x128xf32, #tpu.memory_space<hbm>> -> memref<10000x128xf32, #tpu.memory_space<hbm>>
        tpu.enqueue_indirect_dma source(%dma_start3A_340 : memref<10000x128xf32, #tpu.memory_space<hbm>>) target(%dma_start3A_336 : memref<80x128xf32, #tpu.memory_space<vmem>>) offsets(%dma_start3A_337 : memref<80xi32, #tpu.memory_space<vmem>>) semaphore(%arg13 : memref<!tpu.dma_semaphore, #tpu.memory_space<semaphore_mem>>)
        %dma_start3A_341 = arith.constant 2 : i32
        %dma_start3A_342 = arith.constant 0 : i32
        %dma_start3A_343 = arith.constant 0 : i32
        %dma_start3A_344 = tpu.memref_slice %arg10[%dma_start3A_341, %dma_start3A_342, %dma_start3A_343] : memref<3x80x128xf32, #tpu.memory_space<vmem>> -> memref<1x80x128xf32, #tpu.memory_space<vmem>>
        %dma_start3A_345 = tpu.memref_squeeze %dma_start3A_344 : memref<1x80x128xf32, #tpu.memory_space<vmem>> -> memref<80x128xf32, #tpu.memory_space<vmem>>
        %dma_start3A_346 = tpu.memref_slice %arg8[%mul3A_331] : memref<10000xi32, #tpu.memory_space<vmem>> -> memref<80xi32, #tpu.memory_space<vmem>>
        %dma_start3A_347 = arith.constant 0 : i32
        %dma_start3A_348 = arith.constant 0 : i32
        %dma_start3A_349 = tpu.memref_slice %arg3[%dma_start3A_347, %dma_start3A_348] : memref<10000x128xf32, #tpu.memory_space<hbm>> -> memref<10000x128xf32, #tpu.memory_space<hbm>>
        tpu.enqueue_indirect_dma source(%dma_start3A_349 : memref<10000x128xf32, #tpu.memory_space<hbm>>) target(%dma_start3A_345 : memref<80x128xf32, #tpu.memory_space<vmem>>) offsets(%dma_start3A_346 : memref<80xi32, #tpu.memory_space<vmem>>) semaphore(%arg13 : memref<!tpu.dma_semaphore, #tpu.memory_space<semaphore_mem>>)
      } else {
      }
      %dma_wait3A_176 = arith.constant 0 : i32
      %dma_wait3A_177 = arith.constant 0 : i32
      %dma_wait3A_178 = arith.constant 0 : i32
      %dma_wait3A_179 = tpu.memref_slice %arg9[%dma_wait3A_176, %dma_wait3A_177, %dma_wait3A_178] : memref<3x80x128xf32, #tpu.memory_space<vmem>> -> memref<1x80x128xf32, #tpu.memory_space<vmem>>
      %dma_wait3A_180 = tpu.memref_squeeze %dma_wait3A_179 : memref<1x80x128xf32, #tpu.memory_space<vmem>> -> memref<80x128xf32, #tpu.memory_space<vmem>>
      %dma_wait3A_181 = arith.constant 0 : i32
      %dma_wait3A_182 = tpu.memref_slice %arg7[%dma_wait3A_181] : memref<10000xi32, #tpu.memory_space<vmem>> -> memref<80xi32, #tpu.memory_space<vmem>>
      %dma_wait3A_183 = arith.constant 0 : i32
      %dma_wait3A_184 = arith.constant 0 : i32
      %dma_wait3A_185 = tpu.memref_slice %arg2[%dma_wait3A_183, %dma_wait3A_184] : memref<10000x128xf32, #tpu.memory_space<hbm>> -> memref<10000x128xf32, #tpu.memory_space<hbm>>
      tpu.wait_indirect_dma semaphore(%arg11 : memref<!tpu.dma_semaphore, #tpu.memory_space<semaphore_mem>>) src(%dma_wait3A_185 : memref<10000x128xf32, #tpu.memory_space<hbm>>) dst(%dma_wait3A_180 : memref<80x128xf32, #tpu.memory_space<vmem>>)
      %dma_wait3A_186 = arith.constant 0 : i32
      %dma_wait3A_187 = arith.constant 0 : i32
      %dma_wait3A_188 = arith.constant 0 : i32
      %dma_wait3A_189 = tpu.memref_slice %arg10[%dma_wait3A_186, %dma_wait3A_187, %dma_wait3A_188] : memref<3x80x128xf32, #tpu.memory_space<vmem>> -> memref<1x80x128xf32, #tpu.memory_space<vmem>>
      %dma_wait3A_190 = tpu.memref_squeeze %dma_wait3A_189 : memref<1x80x128xf32, #tpu.memory_space<vmem>> -> memref<80x128xf32, #tpu.memory_space<vmem>>
      %dma_wait3A_191 = arith.constant 0 : i32
      %dma_wait3A_192 = tpu.memref_slice %arg8[%dma_wait3A_191] : memref<10000xi32, #tpu.memory_space<vmem>> -> memref<80xi32, #tpu.memory_space<vmem>>
      %dma_wait3A_193 = arith.constant 0 : i32
      %dma_wait3A_194 = arith.constant 0 : i32
      %dma_wait3A_195 = tpu.memref_slice %arg3[%dma_wait3A_193, %dma_wait3A_194] : memref<10000x128xf32, #tpu.memory_space<hbm>> -> memref<10000x128xf32, #tpu.memory_space<hbm>>
      tpu.wait_indirect_dma semaphore(%arg11 : memref<!tpu.dma_semaphore, #tpu.memory_space<semaphore_mem>>) src(%dma_wait3A_195 : memref<10000x128xf32, #tpu.memory_space<hbm>>) dst(%dma_wait3A_190 : memref<80x128xf32, #tpu.memory_space<vmem>>)
      %scan3A_196 = arith.constant 0 : i32
      %scan3A_197 = arith.constant 0 : i32
      %scan3A_198 = arith.constant 80 : i32
      %scan3A_199 = arith.addi %scan3A_197, %scan3A_198 : i32
      %scan3A_200 = arith.constant 1 : i32
      scf.for %scan3A_324 = %scan3A_197 to %scan3A_199 step %scan3A_200  : i32 {
        %get3A = arith.constant 0 : i32
        %get3A_325 = arith.index_cast %get3A : i32 to index
        %get3A_326 = arith.index_cast %scan3A_324 : i32 to index
        %get3A_327 = arith.constant 0 : index
        %get3A_328 = tpu.vector_load %arg10[%get3A_325, %get3A_326, %get3A_327] {strides = array<i32>} : memref<3x80x128xf32, #tpu.memory_space<vmem>>, vector<1x1x16xf32>,
        %get3A_329 = vector.shape_cast %get3A_328 : vector<1x1x16xf32> to vector<16xf32>
        %swap3A = arith.constant 0 : i32
        %swap3A_330 = arith.index_cast %swap3A : i32 to index
        %swap3A_331 = arith.index_cast %scan3A_324 : i32 to index
        %swap3A_332 = arith.constant 0 : index
        %swap3A_333 = tpu.vector_load %arg9[%swap3A_330, %swap3A_331, %swap3A_332] {strides = array<i32>} : memref<3x80x128xf32, #tpu.memory_space<vmem>>, vector<1x1x16xf32>,
        %swap3A_334 = vector.shape_cast %swap3A_333 : vector<1x1x16xf32> to vector<16xf32>
        %swap3A_335 = vector.shape_cast %get3A_329 : vector<16xf32> to vector<1x1x16xf32>
        tpu.vector_store %arg9[%swap3A_330, %swap3A_331, %swap3A_332], %swap3A_335 {add = true, strides = array<i32>} : memref<3x80x128xf32, #tpu.memory_space<vmem>>, vector<1x1x16xf32>,
        %get3A_336 = arith.constant 0 : i32
        %get3A_337 = arith.index_cast %get3A_336 : i32 to index
        %get3A_338 = arith.index_cast %scan3A_324 : i32 to index
        %get3A_339 = arith.constant 16 : index
        %get3A_340 = tpu.vector_load %arg10[%get3A_337, %get3A_338, %get3A_339] {strides = array<i32>} : memref<3x80x128xf32, #tpu.memory_space<vmem>>, vector<1x1x16xf32>,
        %get3A_341 = vector.shape_cast %get3A_340 : vector<1x1x16xf32> to vector<16xf32>
        %swap3A_342 = arith.constant 0 : i32
        %swap3A_343 = arith.index_cast %swap3A_342 : i32 to index
        %swap3A_344 = arith.index_cast %scan3A_324 : i32 to index
        %swap3A_345 = arith.constant 16 : index
        %swap3A_346 = tpu.vector_load %arg9[%swap3A_343, %swap3A_344, %swap3A_345] {strides = array<i32>} : memref<3x80x128xf32, #tpu.memory_space<vmem>>, vector<1x1x16xf32>,
        %swap3A_347 = vector.shape_cast %swap3A_346 : vector<1x1x16xf32> to vector<16xf32>
        %swap3A_348 = vector.shape_cast %get3A_341 : vector<16xf32> to vector<1x1x16xf32>
        tpu.vector_store %arg9[%swap3A_343, %swap3A_344, %swap3A_345], %swap3A_348 {add = true, strides = array<i32>} : memref<3x80x128xf32, #tpu.memory_space<vmem>>, vector<1x1x16xf32>,
        %get3A_349 = arith.constant 0 : i32
        %get3A_350 = arith.index_cast %get3A_349 : i32 to index
        %get3A_351 = arith.index_cast %scan3A_324 : i32 to index
        %get3A_352 = arith.constant 32 : index
        %get3A_353 = tpu.vector_load %arg10[%get3A_350, %get3A_351, %get3A_352] {strides = array<i32>} : memref<3x80x128xf32, #tpu.memory_space<vmem>>, vector<1x1x16xf32>,
        %get3A_354 = vector.shape_cast %get3A_353 : vector<1x1x16xf32> to vector<16xf32>
        %swap3A_355 = arith.constant 0 : i32
        %swap3A_356 = arith.index_cast %swap3A_355 : i32 to index
        %swap3A_357 = arith.index_cast %scan3A_324 : i32 to index
        %swap3A_358 = arith.constant 32 : index
        %swap3A_359 = tpu.vector_load %arg9[%swap3A_356, %swap3A_357, %swap3A_358] {strides = array<i32>} : memref<3x80x128xf32, #tpu.memory_space<vmem>>, vector<1x1x16xf32>,
        %swap3A_360 = vector.shape_cast %swap3A_359 : vector<1x1x16xf32> to vector<16xf32>
        %swap3A_361 = vector.shape_cast %get3A_354 : vector<16xf32> to vector<1x1x16xf32>
        tpu.vector_store %arg9[%swap3A_356, %swap3A_357, %swap3A_358], %swap3A_361 {add = true, strides = array<i32>} : memref<3x80x128xf32, #tpu.memory_space<vmem>>, vector<1x1x16xf32>,
        %get3A_362 = arith.constant 0 : i32
        %get3A_363 = arith.index_cast %get3A_362 : i32 to index
        %get3A_364 = arith.index_cast %scan3A_324 : i32 to index
        %get3A_365 = arith.constant 48 : index
        %get3A_366 = tpu.vector_load %arg10[%get3A_363, %get3A_364, %get3A_365] {strides = array<i32>} : memref<3x80x128xf32, #tpu.memory_space<vmem>>, vector<1x1x16xf32>,
        %get3A_367 = vector.shape_cast %get3A_366 : vector<1x1x16xf32> to vector<16xf32>
        %swap3A_368 = arith.constant 0 : i32
        %swap3A_369 = arith.index_cast %swap3A_368 : i32 to index
        %swap3A_370 = arith.index_cast %scan3A_324 : i32 to index
        %swap3A_371 = arith.constant 48 : index
        %swap3A_372 = tpu.vector_load %arg9[%swap3A_369, %swap3A_370, %swap3A_371] {strides = array<i32>} : memref<3x80x128xf32, #tpu.memory_space<vmem>>, vector<1x1x16xf32>,
        %swap3A_373 = vector.shape_cast %swap3A_372 : vector<1x1x16xf32> to vector<16xf32>
        %swap3A_374 = vector.shape_cast %get3A_367 : vector<16xf32> to vector<1x1x16xf32>
        tpu.vector_store %arg9[%swap3A_369, %swap3A_370, %swap3A_371], %swap3A_374 {add = true, strides = array<i32>} : memref<3x80x128xf32, #tpu.memory_space<vmem>>, vector<1x1x16xf32>,
        %get3A_375 = arith.constant 0 : i32
        %get3A_376 = arith.index_cast %get3A_375 : i32 to index
        %get3A_377 = arith.index_cast %scan3A_324 : i32 to index
        %get3A_378 = arith.constant 64 : index
        %get3A_379 = tpu.vector_load %arg10[%get3A_376, %get3A_377, %get3A_378] {strides = array<i32>} : memref<3x80x128xf32, #tpu.memory_space<vmem>>, vector<1x1x16xf32>,
        %get3A_380 = vector.shape_cast %get3A_379 : vector<1x1x16xf32> to vector<16xf32>
        %swap3A_381 = arith.constant 0 : i32
        %swap3A_382 = arith.index_cast %swap3A_381 : i32 to index
        %swap3A_383 = arith.index_cast %scan3A_324 : i32 to index
        %swap3A_384 = arith.constant 64 : index
        %swap3A_385 = tpu.vector_load %arg9[%swap3A_382, %swap3A_383, %swap3A_384] {strides = array<i32>} : memref<3x80x128xf32, #tpu.memory_space<vmem>>, vector<1x1x16xf32>,
        %swap3A_386 = vector.shape_cast %swap3A_385 : vector<1x1x16xf32> to vector<16xf32>
        %swap3A_387 = vector.shape_cast %get3A_380 : vector<16xf32> to vector<1x1x16xf32>
        tpu.vector_store %arg9[%swap3A_382, %swap3A_383, %swap3A_384], %swap3A_387 {add = true, strides = array<i32>} : memref<3x80x128xf32, #tpu.memory_space<vmem>>, vector<1x1x16xf32>,
        %get3A_388 = arith.constant 0 : i32
        %get3A_389 = arith.index_cast %get3A_388 : i32 to index
        %get3A_390 = arith.index_cast %scan3A_324 : i32 to index
        %get3A_391 = arith.constant 80 : index
        %get3A_392 = tpu.vector_load %arg10[%get3A_389, %get3A_390, %get3A_391] {strides = array<i32>} : memref<3x80x128xf32, #tpu.memory_space<vmem>>, vector<1x1x16xf32>,
        %get3A_393 = vector.shape_cast %get3A_392 : vector<1x1x16xf32> to vector<16xf32>
        %swap3A_394 = arith.constant 0 : i32
        %swap3A_395 = arith.index_cast %swap3A_394 : i32 to index
        %swap3A_396 = arith.index_cast %scan3A_324 : i32 to index
        %swap3A_397 = arith.constant 80 : index
        %swap3A_398 = tpu.vector_load %arg9[%swap3A_395, %swap3A_396, %swap3A_397] {strides = array<i32>} : memref<3x80x128xf32, #tpu.memory_space<vmem>>, vector<1x1x16xf32>,
        %swap3A_399 = vector.shape_cast %swap3A_398 : vector<1x1x16xf32> to vector<16xf32>
        %swap3A_400 = vector.shape_cast %get3A_393 : vector<16xf32> to vector<1x1x16xf32>
        tpu.vector_store %arg9[%swap3A_395, %swap3A_396, %swap3A_397], %swap3A_400 {add = true, strides = array<i32>} : memref<3x80x128xf32, #tpu.memory_space<vmem>>, vector<1x1x16xf32>,
        %get3A_401 = arith.constant 0 : i32
        %get3A_402 = arith.index_cast %get3A_401 : i32 to index
        %get3A_403 = arith.index_cast %scan3A_324 : i32 to index
        %get3A_404 = arith.constant 96 : index
        %get3A_405 = tpu.vector_load %arg10[%get3A_402, %get3A_403, %get3A_404] {strides = array<i32>} : memref<3x80x128xf32, #tpu.memory_space<vmem>>, vector<1x1x16xf32>,
        %get3A_406 = vector.shape_cast %get3A_405 : vector<1x1x16xf32> to vector<16xf32>
        %swap3A_407 = arith.constant 0 : i32
        %swap3A_408 = arith.index_cast %swap3A_407 : i32 to index
        %swap3A_409 = arith.index_cast %scan3A_324 : i32 to index
        %swap3A_410 = arith.constant 96 : index
        %swap3A_411 = tpu.vector_load %arg9[%swap3A_408, %swap3A_409, %swap3A_410] {strides = array<i32>} : memref<3x80x128xf32, #tpu.memory_space<vmem>>, vector<1x1x16xf32>,
        %swap3A_412 = vector.shape_cast %swap3A_411 : vector<1x1x16xf32> to vector<16xf32>
        %swap3A_413 = vector.shape_cast %get3A_406 : vector<16xf32> to vector<1x1x16xf32>
        tpu.vector_store %arg9[%swap3A_408, %swap3A_409, %swap3A_410], %swap3A_413 {add = true, strides = array<i32>} : memref<3x80x128xf32, #tpu.memory_space<vmem>>, vector<1x1x16xf32>,
        %get3A_414 = arith.constant 0 : i32
        %get3A_415 = arith.index_cast %get3A_414 : i32 to index
        %get3A_416 = arith.index_cast %scan3A_324 : i32 to index
        %get3A_417 = arith.constant 112 : index
        %get3A_418 = tpu.vector_load %arg10[%get3A_415, %get3A_416, %get3A_417] {strides = array<i32>} : memref<3x80x128xf32, #tpu.memory_space<vmem>>, vector<1x1x16xf32>,
        %get3A_419 = vector.shape_cast %get3A_418 : vector<1x1x16xf32> to vector<16xf32>
        %swap3A_420 = arith.constant 0 : i32
        %swap3A_421 = arith.index_cast %swap3A_420 : i32 to index
        %swap3A_422 = arith.index_cast %scan3A_324 : i32 to index
        %swap3A_423 = arith.constant 112 : index
        %swap3A_424 = tpu.vector_load %arg9[%swap3A_421, %swap3A_422, %swap3A_423] {strides = array<i32>} : memref<3x80x128xf32, #tpu.memory_space<vmem>>, vector<1x1x16xf32>,
        %swap3A_425 = vector.shape_cast %swap3A_424 : vector<1x1x16xf32> to vector<16xf32>
        %swap3A_426 = vector.shape_cast %get3A_419 : vector<16xf32> to vector<1x1x16xf32>
        tpu.vector_store %arg9[%swap3A_421, %swap3A_422, %swap3A_423], %swap3A_426 {add = true, strides = array<i32>} : memref<3x80x128xf32, #tpu.memory_space<vmem>>, vector<1x1x16xf32>,
      }
      %scan3A_201 = arith.constant 80 : i32
      %mul3A_202 = arith.constant 80 : i32
      %mul3A_203 = arith.muli %add3A_171, %mul3A_202 : i32
      %add3A_204 = arith.addi %mul3A_2, %mul3A_203 : i32
      %dma_start3A_205 = arith.constant 0 : i32
      %dma_start3A_206 = arith.constant 0 : i32
      %dma_start3A_207 = arith.constant 0 : i32
      %dma_start3A_208 = tpu.memref_slice %arg9[%dma_start3A_205, %dma_start3A_206, %dma_start3A_207] : memref<3x80x128xf32, #tpu.memory_space<vmem>> -> memref<1x80x128xf32, #tpu.memory_space<vmem>>
      %dma_start3A_209 = tpu.memref_squeeze %dma_start3A_208 : memref<1x80x128xf32, #tpu.memory_space<vmem>> -> memref<80x128xf32, #tpu.memory_space<vmem>>
      %dma_start3A_210 = arith.constant 0 : i32
      %dma_start3A_211 = tpu.memref_slice %arg6[%add3A_204, %dma_start3A_210] : memref<320000x128xf32, #tpu.memory_space<hbm>> -> memref<80x128xf32, #tpu.memory_space<hbm>>
      %dma_start3A_212 = arith.constant 0 : i32
      %dma_start3A_213 = tpu.memref_slice %arg6[%add3A_204, %dma_start3A_212] : memref<320000x128xf32, #tpu.memory_space<hbm>> -> memref<80x128xf32, #tpu.memory_space<hbm>>
      %dma_start3A_214 = arith.constant 0 : i32
      %dma_start3A_215 = arith.constant 0 : i32
      %dma_start3A_216 = tpu.memref_slice %arg9[%dma_start3A_205, %dma_start3A_214, %dma_start3A_215] : memref<3x80x128xf32, #tpu.memory_space<vmem>> -> memref<1x80x128xf32, #tpu.memory_space<vmem>>
      %dma_start3A_217 = tpu.memref_squeeze %dma_start3A_216 : memref<1x80x128xf32, #tpu.memory_space<vmem>> -> memref<80x128xf32, #tpu.memory_space<vmem>>
      tpu.enqueue_dma source(%dma_start3A_217 : memref<80x128xf32, #tpu.memory_space<vmem>>) target(%dma_start3A_213 : memref<80x128xf32, #tpu.memory_space<hbm>>) target_semaphore(%arg14 : memref<!tpu.dma_semaphore, #tpu.memory_space<semaphore_mem>>)
      %mul3A_218 = arith.constant 3 : i32
      %mul3A_219 = arith.muli %mul3A_218, %scan3A_167 : i32
      %add3A_220 = arith.constant 1 : i32
      %add3A_221 = arith.addi %mul3A_219, %add3A_220 : i32
      %add3A_222 = arith.constant 2 : i32
      %add3A_223 = arith.addi %add3A_221, %add3A_222 : i32
      %le3A_224 = arith.constant 124 : i32
      %le3A_225 = arith.cmpi sle, %add3A_223, %le3A_224 : i32
      %convert_element_type3A_226 = arith.extui %le3A_225 : i1 to i32
      %cond3A_227 = arith.constant 0 : i32
      %cond3A_228 = arith.cmpi ne, %convert_element_type3A_226, %cond3A_227 : i32
      scf.if %cond3A_228 {
        %ge3A = arith.constant 1 : i32
        %ge3A_324 = arith.cmpi sge, %add3A_221, %ge3A : i32
        %convert_element_type3A_325 = arith.extui %ge3A_324 : i1 to i32
        %cond3A_326 = arith.constant 0 : i32
        %cond3A_327 = arith.cmpi ne, %convert_element_type3A_325, %cond3A_326 : i32
        scf.if %cond3A_327 {
          %dma_wait3A_350 = arith.constant 0 : i32
          %dma_wait3A_351 = arith.constant 0 : i32
          %dma_wait3A_352 = arith.constant 0 : i32
          %dma_wait3A_353 = tpu.memref_slice %arg9[%dma_wait3A_350, %dma_wait3A_351, %dma_wait3A_352] : memref<3x80x128xf32, #tpu.memory_space<vmem>> -> memref<1x80x128xf32, #tpu.memory_space<vmem>>
          %dma_wait3A_354 = tpu.memref_squeeze %dma_wait3A_353 : memref<1x80x128xf32, #tpu.memory_space<vmem>> -> memref<80x128xf32, #tpu.memory_space<vmem>>
          %dma_wait3A_355 = arith.constant 0 : i32
          %dma_wait3A_356 = tpu.memref_slice %arg6[%mul3A_2, %dma_wait3A_355] : memref<320000x128xf32, #tpu.memory_space<hbm>> -> memref<80x128xf32, #tpu.memory_space<hbm>>
          %dma_wait3A_357 = arith.constant 0 : i32
          %dma_wait3A_358 = tpu.memref_slice %arg6[%mul3A_2, %dma_wait3A_357] : memref<320000x128xf32, #tpu.memory_space<hbm>> -> memref<80x128xf32, #tpu.memory_space<hbm>>
          %dma_wait3A_359 = arith.constant 0 : i32
          %dma_wait3A_360 = arith.constant 0 : i32
          %dma_wait3A_361 = tpu.memref_slice %arg9[%dma_wait3A_350, %dma_wait3A_359, %dma_wait3A_360] : memref<3x80x128xf32, #tpu.memory_space<vmem>> -> memref<1x80x128xf32, #tpu.memory_space<vmem>>
          %dma_wait3A_362 = tpu.memref_squeeze %dma_wait3A_361 : memref<1x80x128xf32, #tpu.memory_space<vmem>> -> memref<80x128xf32, #tpu.memory_space<vmem>>
          tpu.wait_dma2 semaphore(%arg14 : memref<!tpu.dma_semaphore, #tpu.memory_space<semaphore_mem>>) src(%dma_wait3A_362 : memref<80x128xf32, #tpu.memory_space<vmem>>) dst(%dma_wait3A_358 : memref<80x128xf32, #tpu.memory_space<hbm>>)
        } else {
        }
        %add3A_328 = arith.constant 2 : i32
        %add3A_329 = arith.addi %add3A_221, %add3A_328 : i32
        %mul3A_330 = arith.constant 80 : i32
        %mul3A_331 = arith.muli %add3A_329, %mul3A_330 : i32
        %dma_start3A_332 = arith.constant 0 : i32
        %dma_start3A_333 = arith.constant 0 : i32
        %dma_start3A_334 = arith.constant 0 : i32
        %dma_start3A_335 = tpu.memref_slice %arg9[%dma_start3A_332, %dma_start3A_333, %dma_start3A_334] : memref<3x80x128xf32, #tpu.memory_space<vmem>> -> memref<1x80x128xf32, #tpu.memory_space<vmem>>
        %dma_start3A_336 = tpu.memref_squeeze %dma_start3A_335 : memref<1x80x128xf32, #tpu.memory_space<vmem>> -> memref<80x128xf32, #tpu.memory_space<vmem>>
        %dma_start3A_337 = tpu.memref_slice %arg7[%mul3A_331] : memref<10000xi32, #tpu.memory_space<vmem>> -> memref<80xi32, #tpu.memory_space<vmem>>
        %dma_start3A_338 = arith.constant 0 : i32
        %dma_start3A_339 = arith.constant 0 : i32
        %dma_start3A_340 = tpu.memref_slice %arg2[%dma_start3A_338, %dma_start3A_339] : memref<10000x128xf32, #tpu.memory_space<hbm>> -> memref<10000x128xf32, #tpu.memory_space<hbm>>
        tpu.enqueue_indirect_dma source(%dma_start3A_340 : memref<10000x128xf32, #tpu.memory_space<hbm>>) target(%dma_start3A_336 : memref<80x128xf32, #tpu.memory_space<vmem>>) offsets(%dma_start3A_337 : memref<80xi32, #tpu.memory_space<vmem>>) semaphore(%arg11 : memref<!tpu.dma_semaphore, #tpu.memory_space<semaphore_mem>>)
        %dma_start3A_341 = arith.constant 0 : i32
        %dma_start3A_342 = arith.constant 0 : i32
        %dma_start3A_343 = arith.constant 0 : i32
        %dma_start3A_344 = tpu.memref_slice %arg10[%dma_start3A_341, %dma_start3A_342, %dma_start3A_343] : memref<3x80x128xf32, #tpu.memory_space<vmem>> -> memref<1x80x128xf32, #tpu.memory_space<vmem>>
        %dma_start3A_345 = tpu.memref_squeeze %dma_start3A_344 : memref<1x80x128xf32, #tpu.memory_space<vmem>> -> memref<80x128xf32, #tpu.memory_space<vmem>>
        %dma_start3A_346 = tpu.memref_slice %arg8[%mul3A_331] : memref<10000xi32, #tpu.memory_space<vmem>> -> memref<80xi32, #tpu.memory_space<vmem>>
        %dma_start3A_347 = arith.constant 0 : i32
        %dma_start3A_348 = arith.constant 0 : i32
        %dma_start3A_349 = tpu.memref_slice %arg3[%dma_start3A_347, %dma_start3A_348] : memref<10000x128xf32, #tpu.memory_space<hbm>> -> memref<10000x128xf32, #tpu.memory_space<hbm>>
        tpu.enqueue_indirect_dma source(%dma_start3A_349 : memref<10000x128xf32, #tpu.memory_space<hbm>>) target(%dma_start3A_345 : memref<80x128xf32, #tpu.memory_space<vmem>>) offsets(%dma_start3A_346 : memref<80xi32, #tpu.memory_space<vmem>>) semaphore(%arg11 : memref<!tpu.dma_semaphore, #tpu.memory_space<semaphore_mem>>)
      } else {
      }
      %dma_wait3A_229 = arith.constant 1 : i32
      %dma_wait3A_230 = arith.constant 0 : i32
      %dma_wait3A_231 = arith.constant 0 : i32
      %dma_wait3A_232 = tpu.memref_slice %arg9[%dma_wait3A_229, %dma_wait3A_230, %dma_wait3A_231] : memref<3x80x128xf32, #tpu.memory_space<vmem>> -> memref<1x80x128xf32, #tpu.memory_space<vmem>>
      %dma_wait3A_233 = tpu.memref_squeeze %dma_wait3A_232 : memref<1x80x128xf32, #tpu.memory_space<vmem>> -> memref<80x128xf32, #tpu.memory_space<vmem>>
      %dma_wait3A_234 = arith.constant 0 : i32
      %dma_wait3A_235 = tpu.memref_slice %arg7[%dma_wait3A_234] : memref<10000xi32, #tpu.memory_space<vmem>> -> memref<80xi32, #tpu.memory_space<vmem>>
      %dma_wait3A_236 = arith.constant 0 : i32
      %dma_wait3A_237 = arith.constant 0 : i32
      %dma_wait3A_238 = tpu.memref_slice %arg2[%dma_wait3A_236, %dma_wait3A_237] : memref<10000x128xf32, #tpu.memory_space<hbm>> -> memref<10000x128xf32, #tpu.memory_space<hbm>>
      tpu.wait_indirect_dma semaphore(%arg12 : memref<!tpu.dma_semaphore, #tpu.memory_space<semaphore_mem>>) src(%dma_wait3A_238 : memref<10000x128xf32, #tpu.memory_space<hbm>>) dst(%dma_wait3A_233 : memref<80x128xf32, #tpu.memory_space<vmem>>)
      %dma_wait3A_239 = arith.constant 1 : i32
      %dma_wait3A_240 = arith.constant 0 : i32
      %dma_wait3A_241 = arith.constant 0 : i32
      %dma_wait3A_242 = tpu.memref_slice %arg10[%dma_wait3A_239, %dma_wait3A_240, %dma_wait3A_241] : memref<3x80x128xf32, #tpu.memory_space<vmem>> -> memref<1x80x128xf32, #tpu.memory_space<vmem>>
      %dma_wait3A_243 = tpu.memref_squeeze %dma_wait3A_242 : memref<1x80x128xf32, #tpu.memory_space<vmem>> -> memref<80x128xf32, #tpu.memory_space<vmem>>
      %dma_wait3A_244 = arith.constant 0 : i32
      %dma_wait3A_245 = tpu.memref_slice %arg8[%dma_wait3A_244] : memref<10000xi32, #tpu.memory_space<vmem>> -> memref<80xi32, #tpu.memory_space<vmem>>
      %dma_wait3A_246 = arith.constant 0 : i32
      %dma_wait3A_247 = arith.constant 0 : i32
      %dma_wait3A_248 = tpu.memref_slice %arg3[%dma_wait3A_246, %dma_wait3A_247] : memref<10000x128xf32, #tpu.memory_space<hbm>> -> memref<10000x128xf32, #tpu.memory_space<hbm>>
      tpu.wait_indirect_dma semaphore(%arg12 : memref<!tpu.dma_semaphore, #tpu.memory_space<semaphore_mem>>) src(%dma_wait3A_248 : memref<10000x128xf32, #tpu.memory_space<hbm>>) dst(%dma_wait3A_243 : memref<80x128xf32, #tpu.memory_space<vmem>>)
      %scan3A_249 = arith.constant 0 : i32
      %scan3A_250 = arith.constant 0 : i32
      %scan3A_251 = arith.constant 80 : i32
      %scan3A_252 = arith.addi %scan3A_250, %scan3A_251 : i32
      %scan3A_253 = arith.constant 1 : i32
      scf.for %scan3A_324 = %scan3A_250 to %scan3A_252 step %scan3A_253  : i32 {
        %get3A = arith.constant 1 : i32
        %get3A_325 = arith.index_cast %get3A : i32 to index
        %get3A_326 = arith.index_cast %scan3A_324 : i32 to index
        %get3A_327 = arith.constant 0 : index
        %get3A_328 = tpu.vector_load %arg10[%get3A_325, %get3A_326, %get3A_327] {strides = array<i32>} : memref<3x80x128xf32, #tpu.memory_space<vmem>>, vector<1x1x16xf32>,
        %get3A_329 = vector.shape_cast %get3A_328 : vector<1x1x16xf32> to vector<16xf32>
        %swap3A = arith.constant 1 : i32
        %swap3A_330 = arith.index_cast %swap3A : i32 to index
        %swap3A_331 = arith.index_cast %scan3A_324 : i32 to index
        %swap3A_332 = arith.constant 0 : index
        %swap3A_333 = tpu.vector_load %arg9[%swap3A_330, %swap3A_331, %swap3A_332] {strides = array<i32>} : memref<3x80x128xf32, #tpu.memory_space<vmem>>, vector<1x1x16xf32>,
        %swap3A_334 = vector.shape_cast %swap3A_333 : vector<1x1x16xf32> to vector<16xf32>
        %swap3A_335 = vector.shape_cast %get3A_329 : vector<16xf32> to vector<1x1x16xf32>
        tpu.vector_store %arg9[%swap3A_330, %swap3A_331, %swap3A_332], %swap3A_335 {add = true, strides = array<i32>} : memref<3x80x128xf32, #tpu.memory_space<vmem>>, vector<1x1x16xf32>,
        %get3A_336 = arith.constant 1 : i32
        %get3A_337 = arith.index_cast %get3A_336 : i32 to index
        %get3A_338 = arith.index_cast %scan3A_324 : i32 to index
        %get3A_339 = arith.constant 16 : index
        %get3A_340 = tpu.vector_load %arg10[%get3A_337, %get3A_338, %get3A_339] {strides = array<i32>} : memref<3x80x128xf32, #tpu.memory_space<vmem>>, vector<1x1x16xf32>,
        %get3A_341 = vector.shape_cast %get3A_340 : vector<1x1x16xf32> to vector<16xf32>
        %swap3A_342 = arith.constant 1 : i32
        %swap3A_343 = arith.index_cast %swap3A_342 : i32 to index
        %swap3A_344 = arith.index_cast %scan3A_324 : i32 to index
        %swap3A_345 = arith.constant 16 : index
        %swap3A_346 = tpu.vector_load %arg9[%swap3A_343, %swap3A_344, %swap3A_345] {strides = array<i32>} : memref<3x80x128xf32, #tpu.memory_space<vmem>>, vector<1x1x16xf32>,
        %swap3A_347 = vector.shape_cast %swap3A_346 : vector<1x1x16xf32> to vector<16xf32>
        %swap3A_348 = vector.shape_cast %get3A_341 : vector<16xf32> to vector<1x1x16xf32>
        tpu.vector_store %arg9[%swap3A_343, %swap3A_344, %swap3A_345], %swap3A_348 {add = true, strides = array<i32>} : memref<3x80x128xf32, #tpu.memory_space<vmem>>, vector<1x1x16xf32>,
        %get3A_349 = arith.constant 1 : i32
        %get3A_350 = arith.index_cast %get3A_349 : i32 to index
        %get3A_351 = arith.index_cast %scan3A_324 : i32 to index
        %get3A_352 = arith.constant 32 : index
        %get3A_353 = tpu.vector_load %arg10[%get3A_350, %get3A_351, %get3A_352] {strides = array<i32>} : memref<3x80x128xf32, #tpu.memory_space<vmem>>, vector<1x1x16xf32>,
        %get3A_354 = vector.shape_cast %get3A_353 : vector<1x1x16xf32> to vector<16xf32>
        %swap3A_355 = arith.constant 1 : i32
        %swap3A_356 = arith.index_cast %swap3A_355 : i32 to index
        %swap3A_357 = arith.index_cast %scan3A_324 : i32 to index
        %swap3A_358 = arith.constant 32 : index
        %swap3A_359 = tpu.vector_load %arg9[%swap3A_356, %swap3A_357, %swap3A_358] {strides = array<i32>} : memref<3x80x128xf32, #tpu.memory_space<vmem>>, vector<1x1x16xf32>,
        %swap3A_360 = vector.shape_cast %swap3A_359 : vector<1x1x16xf32> to vector<16xf32>
        %swap3A_361 = vector.shape_cast %get3A_354 : vector<16xf32> to vector<1x1x16xf32>
        tpu.vector_store %arg9[%swap3A_356, %swap3A_357, %swap3A_358], %swap3A_361 {add = true, strides = array<i32>} : memref<3x80x128xf32, #tpu.memory_space<vmem>>, vector<1x1x16xf32>,
        %get3A_362 = arith.constant 1 : i32
        %get3A_363 = arith.index_cast %get3A_362 : i32 to index
        %get3A_364 = arith.index_cast %scan3A_324 : i32 to index
        %get3A_365 = arith.constant 48 : index
        %get3A_366 = tpu.vector_load %arg10[%get3A_363, %get3A_364, %get3A_365] {strides = array<i32>} : memref<3x80x128xf32, #tpu.memory_space<vmem>>, vector<1x1x16xf32>,
        %get3A_367 = vector.shape_cast %get3A_366 : vector<1x1x16xf32> to vector<16xf32>
        %swap3A_368 = arith.constant 1 : i32
        %swap3A_369 = arith.index_cast %swap3A_368 : i32 to index
        %swap3A_370 = arith.index_cast %scan3A_324 : i32 to index
        %swap3A_371 = arith.constant 48 : index
        %swap3A_372 = tpu.vector_load %arg9[%swap3A_369, %swap3A_370, %swap3A_371] {strides = array<i32>} : memref<3x80x128xf32, #tpu.memory_space<vmem>>, vector<1x1x16xf32>,
        %swap3A_373 = vector.shape_cast %swap3A_372 : vector<1x1x16xf32> to vector<16xf32>
        %swap3A_374 = vector.shape_cast %get3A_367 : vector<16xf32> to vector<1x1x16xf32>
        tpu.vector_store %arg9[%swap3A_369, %swap3A_370, %swap3A_371], %swap3A_374 {add = true, strides = array<i32>} : memref<3x80x128xf32, #tpu.memory_space<vmem>>, vector<1x1x16xf32>,
        %get3A_375 = arith.constant 1 : i32
        %get3A_376 = arith.index_cast %get3A_375 : i32 to index
        %get3A_377 = arith.index_cast %scan3A_324 : i32 to index
        %get3A_378 = arith.constant 64 : index
        %get3A_379 = tpu.vector_load %arg10[%get3A_376, %get3A_377, %get3A_378] {strides = array<i32>} : memref<3x80x128xf32, #tpu.memory_space<vmem>>, vector<1x1x16xf32>,
        %get3A_380 = vector.shape_cast %get3A_379 : vector<1x1x16xf32> to vector<16xf32>
        %swap3A_381 = arith.constant 1 : i32
        %swap3A_382 = arith.index_cast %swap3A_381 : i32 to index
        %swap3A_383 = arith.index_cast %scan3A_324 : i32 to index
        %swap3A_384 = arith.constant 64 : index
        %swap3A_385 = tpu.vector_load %arg9[%swap3A_382, %swap3A_383, %swap3A_384] {strides = array<i32>} : memref<3x80x128xf32, #tpu.memory_space<vmem>>, vector<1x1x16xf32>,
        %swap3A_386 = vector.shape_cast %swap3A_385 : vector<1x1x16xf32> to vector<16xf32>
        %swap3A_387 = vector.shape_cast %get3A_380 : vector<16xf32> to vector<1x1x16xf32>
        tpu.vector_store %arg9[%swap3A_382, %swap3A_383, %swap3A_384], %swap3A_387 {add = true, strides = array<i32>} : memref<3x80x128xf32, #tpu.memory_space<vmem>>, vector<1x1x16xf32>,
        %get3A_388 = arith.constant 1 : i32
        %get3A_389 = arith.index_cast %get3A_388 : i32 to index
        %get3A_390 = arith.index_cast %scan3A_324 : i32 to index
        %get3A_391 = arith.constant 80 : index
        %get3A_392 = tpu.vector_load %arg10[%get3A_389, %get3A_390, %get3A_391] {strides = array<i32>} : memref<3x80x128xf32, #tpu.memory_space<vmem>>, vector<1x1x16xf32>,
        %get3A_393 = vector.shape_cast %get3A_392 : vector<1x1x16xf32> to vector<16xf32>
        %swap3A_394 = arith.constant 1 : i32
        %swap3A_395 = arith.index_cast %swap3A_394 : i32 to index
        %swap3A_396 = arith.index_cast %scan3A_324 : i32 to index
        %swap3A_397 = arith.constant 80 : index
        %swap3A_398 = tpu.vector_load %arg9[%swap3A_395, %swap3A_396, %swap3A_397] {strides = array<i32>} : memref<3x80x128xf32, #tpu.memory_space<vmem>>, vector<1x1x16xf32>,
        %swap3A_399 = vector.shape_cast %swap3A_398 : vector<1x1x16xf32> to vector<16xf32>
        %swap3A_400 = vector.shape_cast %get3A_393 : vector<16xf32> to vector<1x1x16xf32>
        tpu.vector_store %arg9[%swap3A_395, %swap3A_396, %swap3A_397], %swap3A_400 {add = true, strides = array<i32>} : memref<3x80x128xf32, #tpu.memory_space<vmem>>, vector<1x1x16xf32>,
        %get3A_401 = arith.constant 1 : i32
        %get3A_402 = arith.index_cast %get3A_401 : i32 to index
        %get3A_403 = arith.index_cast %scan3A_324 : i32 to index
        %get3A_404 = arith.constant 96 : index
        %get3A_405 = tpu.vector_load %arg10[%get3A_402, %get3A_403, %get3A_404] {strides = array<i32>} : memref<3x80x128xf32, #tpu.memory_space<vmem>>, vector<1x1x16xf32>,
        %get3A_406 = vector.shape_cast %get3A_405 : vector<1x1x16xf32> to vector<16xf32>
        %swap3A_407 = arith.constant 1 : i32
        %swap3A_408 = arith.index_cast %swap3A_407 : i32 to index
        %swap3A_409 = arith.index_cast %scan3A_324 : i32 to index
        %swap3A_410 = arith.constant 96 : index
        %swap3A_411 = tpu.vector_load %arg9[%swap3A_408, %swap3A_409, %swap3A_410] {strides = array<i32>} : memref<3x80x128xf32, #tpu.memory_space<vmem>>, vector<1x1x16xf32>,
        %swap3A_412 = vector.shape_cast %swap3A_411 : vector<1x1x16xf32> to vector<16xf32>
        %swap3A_413 = vector.shape_cast %get3A_406 : vector<16xf32> to vector<1x1x16xf32>
        tpu.vector_store %arg9[%swap3A_408, %swap3A_409, %swap3A_410], %swap3A_413 {add = true, strides = array<i32>} : memref<3x80x128xf32, #tpu.memory_space<vmem>>, vector<1x1x16xf32>,
        %get3A_414 = arith.constant 1 : i32
        %get3A_415 = arith.index_cast %get3A_414 : i32 to index
        %get3A_416 = arith.index_cast %scan3A_324 : i32 to index
        %get3A_417 = arith.constant 112 : index
        %get3A_418 = tpu.vector_load %arg10[%get3A_415, %get3A_416, %get3A_417] {strides = array<i32>} : memref<3x80x128xf32, #tpu.memory_space<vmem>>, vector<1x1x16xf32>,
        %get3A_419 = vector.shape_cast %get3A_418 : vector<1x1x16xf32> to vector<16xf32>
        %swap3A_420 = arith.constant 1 : i32
        %swap3A_421 = arith.index_cast %swap3A_420 : i32 to index
        %swap3A_422 = arith.index_cast %scan3A_324 : i32 to index
        %swap3A_423 = arith.constant 112 : index
        %swap3A_424 = tpu.vector_load %arg9[%swap3A_421, %swap3A_422, %swap3A_423] {strides = array<i32>} : memref<3x80x128xf32, #tpu.memory_space<vmem>>, vector<1x1x16xf32>,
        %swap3A_425 = vector.shape_cast %swap3A_424 : vector<1x1x16xf32> to vector<16xf32>
        %swap3A_426 = vector.shape_cast %get3A_419 : vector<16xf32> to vector<1x1x16xf32>
        tpu.vector_store %arg9[%swap3A_421, %swap3A_422, %swap3A_423], %swap3A_426 {add = true, strides = array<i32>} : memref<3x80x128xf32, #tpu.memory_space<vmem>>, vector<1x1x16xf32>,
      }
      %scan3A_254 = arith.constant 80 : i32
      %mul3A_255 = arith.constant 80 : i32
      %mul3A_256 = arith.muli %add3A_221, %mul3A_255 : i32
      %add3A_257 = arith.addi %mul3A_2, %mul3A_256 : i32
      %dma_start3A_258 = arith.constant 1 : i32
      %dma_start3A_259 = arith.constant 0 : i32
      %dma_start3A_260 = arith.constant 0 : i32
      %dma_start3A_261 = tpu.memref_slice %arg9[%dma_start3A_258, %dma_start3A_259, %dma_start3A_260] : memref<3x80x128xf32, #tpu.memory_space<vmem>> -> memref<1x80x128xf32, #tpu.memory_space<vmem>>
      %dma_start3A_262 = tpu.memref_squeeze %dma_start3A_261 : memref<1x80x128xf32, #tpu.memory_space<vmem>> -> memref<80x128xf32, #tpu.memory_space<vmem>>
      %dma_start3A_263 = arith.constant 0 : i32
      %dma_start3A_264 = tpu.memref_slice %arg6[%add3A_257, %dma_start3A_263] : memref<320000x128xf32, #tpu.memory_space<hbm>> -> memref<80x128xf32, #tpu.memory_space<hbm>>
      %dma_start3A_265 = arith.constant 0 : i32
      %dma_start3A_266 = tpu.memref_slice %arg6[%add3A_257, %dma_start3A_265] : memref<320000x128xf32, #tpu.memory_space<hbm>> -> memref<80x128xf32, #tpu.memory_space<hbm>>
      %dma_start3A_267 = arith.constant 0 : i32
      %dma_start3A_268 = arith.constant 0 : i32
      %dma_start3A_269 = tpu.memref_slice %arg9[%dma_start3A_258, %dma_start3A_267, %dma_start3A_268] : memref<3x80x128xf32, #tpu.memory_space<vmem>> -> memref<1x80x128xf32, #tpu.memory_space<vmem>>
      %dma_start3A_270 = tpu.memref_squeeze %dma_start3A_269 : memref<1x80x128xf32, #tpu.memory_space<vmem>> -> memref<80x128xf32, #tpu.memory_space<vmem>>
      tpu.enqueue_dma source(%dma_start3A_270 : memref<80x128xf32, #tpu.memory_space<vmem>>) target(%dma_start3A_266 : memref<80x128xf32, #tpu.memory_space<hbm>>) target_semaphore(%arg15 : memref<!tpu.dma_semaphore, #tpu.memory_space<semaphore_mem>>)
      %mul3A_271 = arith.constant 3 : i32
      %mul3A_272 = arith.muli %mul3A_271, %scan3A_167 : i32
      %add3A_273 = arith.constant 2 : i32
      %add3A_274 = arith.addi %mul3A_272, %add3A_273 : i32
      %add3A_275 = arith.constant 2 : i32
      %add3A_276 = arith.addi %add3A_274, %add3A_275 : i32
      %le3A_277 = arith.constant 124 : i32
      %le3A_278 = arith.cmpi sle, %add3A_276, %le3A_277 : i32
      %convert_element_type3A_279 = arith.extui %le3A_278 : i1 to i32
      %cond3A_280 = arith.constant 0 : i32
      %cond3A_281 = arith.cmpi ne, %convert_element_type3A_279, %cond3A_280 : i32
      scf.if %cond3A_281 {
        %ge3A = arith.constant 1 : i32
        %ge3A_324 = arith.cmpi sge, %add3A_274, %ge3A : i32
        %convert_element_type3A_325 = arith.extui %ge3A_324 : i1 to i32
        %cond3A_326 = arith.constant 0 : i32
        %cond3A_327 = arith.cmpi ne, %convert_element_type3A_325, %cond3A_326 : i32
        scf.if %cond3A_327 {
          %dma_wait3A_350 = arith.constant 1 : i32
          %dma_wait3A_351 = arith.constant 0 : i32
          %dma_wait3A_352 = arith.constant 0 : i32
          %dma_wait3A_353 = tpu.memref_slice %arg9[%dma_wait3A_350, %dma_wait3A_351, %dma_wait3A_352] : memref<3x80x128xf32, #tpu.memory_space<vmem>> -> memref<1x80x128xf32, #tpu.memory_space<vmem>>
          %dma_wait3A_354 = tpu.memref_squeeze %dma_wait3A_353 : memref<1x80x128xf32, #tpu.memory_space<vmem>> -> memref<80x128xf32, #tpu.memory_space<vmem>>
          %dma_wait3A_355 = arith.constant 0 : i32
          %dma_wait3A_356 = tpu.memref_slice %arg6[%mul3A_2, %dma_wait3A_355] : memref<320000x128xf32, #tpu.memory_space<hbm>> -> memref<80x128xf32, #tpu.memory_space<hbm>>
          %dma_wait3A_357 = arith.constant 0 : i32
          %dma_wait3A_358 = tpu.memref_slice %arg6[%mul3A_2, %dma_wait3A_357] : memref<320000x128xf32, #tpu.memory_space<hbm>> -> memref<80x128xf32, #tpu.memory_space<hbm>>
          %dma_wait3A_359 = arith.constant 0 : i32
          %dma_wait3A_360 = arith.constant 0 : i32
          %dma_wait3A_361 = tpu.memref_slice %arg9[%dma_wait3A_350, %dma_wait3A_359, %dma_wait3A_360] : memref<3x80x128xf32, #tpu.memory_space<vmem>> -> memref<1x80x128xf32, #tpu.memory_space<vmem>>
          %dma_wait3A_362 = tpu.memref_squeeze %dma_wait3A_361 : memref<1x80x128xf32, #tpu.memory_space<vmem>> -> memref<80x128xf32, #tpu.memory_space<vmem>>
          tpu.wait_dma2 semaphore(%arg15 : memref<!tpu.dma_semaphore, #tpu.memory_space<semaphore_mem>>) src(%dma_wait3A_362 : memref<80x128xf32, #tpu.memory_space<vmem>>) dst(%dma_wait3A_358 : memref<80x128xf32, #tpu.memory_space<hbm>>)
        } else {
        }
        %add3A_328 = arith.constant 2 : i32
        %add3A_329 = arith.addi %add3A_274, %add3A_328 : i32
        %mul3A_330 = arith.constant 80 : i32
        %mul3A_331 = arith.muli %add3A_329, %mul3A_330 : i32
        %dma_start3A_332 = arith.constant 1 : i32
        %dma_start3A_333 = arith.constant 0 : i32
        %dma_start3A_334 = arith.constant 0 : i32
        %dma_start3A_335 = tpu.memref_slice %arg9[%dma_start3A_332, %dma_start3A_333, %dma_start3A_334] : memref<3x80x128xf32, #tpu.memory_space<vmem>> -> memref<1x80x128xf32, #tpu.memory_space<vmem>>
        %dma_start3A_336 = tpu.memref_squeeze %dma_start3A_335 : memref<1x80x128xf32, #tpu.memory_space<vmem>> -> memref<80x128xf32, #tpu.memory_space<vmem>>
        %dma_start3A_337 = tpu.memref_slice %arg7[%mul3A_331] : memref<10000xi32, #tpu.memory_space<vmem>> -> memref<80xi32, #tpu.memory_space<vmem>>
        %dma_start3A_338 = arith.constant 0 : i32
        %dma_start3A_339 = arith.constant 0 : i32
        %dma_start3A_340 = tpu.memref_slice %arg2[%dma_start3A_338, %dma_start3A_339] : memref<10000x128xf32, #tpu.memory_space<hbm>> -> memref<10000x128xf32, #tpu.memory_space<hbm>>
        tpu.enqueue_indirect_dma source(%dma_start3A_340 : memref<10000x128xf32, #tpu.memory_space<hbm>>) target(%dma_start3A_336 : memref<80x128xf32, #tpu.memory_space<vmem>>) offsets(%dma_start3A_337 : memref<80xi32, #tpu.memory_space<vmem>>) semaphore(%arg12 : memref<!tpu.dma_semaphore, #tpu.memory_space<semaphore_mem>>)
        %dma_start3A_341 = arith.constant 1 : i32
        %dma_start3A_342 = arith.constant 0 : i32
        %dma_start3A_343 = arith.constant 0 : i32
        %dma_start3A_344 = tpu.memref_slice %arg10[%dma_start3A_341, %dma_start3A_342, %dma_start3A_343] : memref<3x80x128xf32, #tpu.memory_space<vmem>> -> memref<1x80x128xf32, #tpu.memory_space<vmem>>
        %dma_start3A_345 = tpu.memref_squeeze %dma_start3A_344 : memref<1x80x128xf32, #tpu.memory_space<vmem>> -> memref<80x128xf32, #tpu.memory_space<vmem>>
        %dma_start3A_346 = tpu.memref_slice %arg8[%mul3A_331] : memref<10000xi32, #tpu.memory_space<vmem>> -> memref<80xi32, #tpu.memory_space<vmem>>
        %dma_start3A_347 = arith.constant 0 : i32
        %dma_start3A_348 = arith.constant 0 : i32
        %dma_start3A_349 = tpu.memref_slice %arg3[%dma_start3A_347, %dma_start3A_348] : memref<10000x128xf32, #tpu.memory_space<hbm>> -> memref<10000x128xf32, #tpu.memory_space<hbm>>
        tpu.enqueue_indirect_dma source(%dma_start3A_349 : memref<10000x128xf32, #tpu.memory_space<hbm>>) target(%dma_start3A_345 : memref<80x128xf32, #tpu.memory_space<vmem>>) offsets(%dma_start3A_346 : memref<80xi32, #tpu.memory_space<vmem>>) semaphore(%arg12 : memref<!tpu.dma_semaphore, #tpu.memory_space<semaphore_mem>>)
      } else {
      }
      %dma_wait3A_282 = arith.constant 2 : i32
      %dma_wait3A_283 = arith.constant 0 : i32
      %dma_wait3A_284 = arith.constant 0 : i32
      %dma_wait3A_285 = tpu.memref_slice %arg9[%dma_wait3A_282, %dma_wait3A_283, %dma_wait3A_284] : memref<3x80x128xf32, #tpu.memory_space<vmem>> -> memref<1x80x128xf32, #tpu.memory_space<vmem>>
      %dma_wait3A_286 = tpu.memref_squeeze %dma_wait3A_285 : memref<1x80x128xf32, #tpu.memory_space<vmem>> -> memref<80x128xf32, #tpu.memory_space<vmem>>
      %dma_wait3A_287 = arith.constant 0 : i32
      %dma_wait3A_288 = tpu.memref_slice %arg7[%dma_wait3A_287] : memref<10000xi32, #tpu.memory_space<vmem>> -> memref<80xi32, #tpu.memory_space<vmem>>
      %dma_wait3A_289 = arith.constant 0 : i32
      %dma_wait3A_290 = arith.constant 0 : i32
      %dma_wait3A_291 = tpu.memref_slice %arg2[%dma_wait3A_289, %dma_wait3A_290] : memref<10000x128xf32, #tpu.memory_space<hbm>> -> memref<10000x128xf32, #tpu.memory_space<hbm>>
      tpu.wait_indirect_dma semaphore(%arg13 : memref<!tpu.dma_semaphore, #tpu.memory_space<semaphore_mem>>) src(%dma_wait3A_291 : memref<10000x128xf32, #tpu.memory_space<hbm>>) dst(%dma_wait3A_286 : memref<80x128xf32, #tpu.memory_space<vmem>>)
      %dma_wait3A_292 = arith.constant 2 : i32
      %dma_wait3A_293 = arith.constant 0 : i32
      %dma_wait3A_294 = arith.constant 0 : i32
      %dma_wait3A_295 = tpu.memref_slice %arg10[%dma_wait3A_292, %dma_wait3A_293, %dma_wait3A_294] : memref<3x80x128xf32, #tpu.memory_space<vmem>> -> memref<1x80x128xf32, #tpu.memory_space<vmem>>
      %dma_wait3A_296 = tpu.memref_squeeze %dma_wait3A_295 : memref<1x80x128xf32, #tpu.memory_space<vmem>> -> memref<80x128xf32, #tpu.memory_space<vmem>>
      %dma_wait3A_297 = arith.constant 0 : i32
      %dma_wait3A_298 = tpu.memref_slice %arg8[%dma_wait3A_297] : memref<10000xi32, #tpu.memory_space<vmem>> -> memref<80xi32, #tpu.memory_space<vmem>>
      %dma_wait3A_299 = arith.constant 0 : i32
      %dma_wait3A_300 = arith.constant 0 : i32
      %dma_wait3A_301 = tpu.memref_slice %arg3[%dma_wait3A_299, %dma_wait3A_300] : memref<10000x128xf32, #tpu.memory_space<hbm>> -> memref<10000x128xf32, #tpu.memory_space<hbm>>
      tpu.wait_indirect_dma semaphore(%arg13 : memref<!tpu.dma_semaphore, #tpu.memory_space<semaphore_mem>>) src(%dma_wait3A_301 : memref<10000x128xf32, #tpu.memory_space<hbm>>) dst(%dma_wait3A_296 : memref<80x128xf32, #tpu.memory_space<vmem>>)
      %scan3A_302 = arith.constant 0 : i32
      %scan3A_303 = arith.constant 0 : i32
      %scan3A_304 = arith.constant 80 : i32
      %scan3A_305 = arith.addi %scan3A_303, %scan3A_304 : i32
      %scan3A_306 = arith.constant 1 : i32
      scf.for %scan3A_324 = %scan3A_303 to %scan3A_305 step %scan3A_306  : i32 {
        %get3A = arith.constant 2 : i32
        %get3A_325 = arith.index_cast %get3A : i32 to index
        %get3A_326 = arith.index_cast %scan3A_324 : i32 to index
        %get3A_327 = arith.constant 0 : index
        %get3A_328 = tpu.vector_load %arg10[%get3A_325, %get3A_326, %get3A_327] {strides = array<i32>} : memref<3x80x128xf32, #tpu.memory_space<vmem>>, vector<1x1x16xf32>,
        %get3A_329 = vector.shape_cast %get3A_328 : vector<1x1x16xf32> to vector<16xf32>
        %swap3A = arith.constant 2 : i32
        %swap3A_330 = arith.index_cast %swap3A : i32 to index
        %swap3A_331 = arith.index_cast %scan3A_324 : i32 to index
        %swap3A_332 = arith.constant 0 : index
        %swap3A_333 = tpu.vector_load %arg9[%swap3A_330, %swap3A_331, %swap3A_332] {strides = array<i32>} : memref<3x80x128xf32, #tpu.memory_space<vmem>>, vector<1x1x16xf32>,
        %swap3A_334 = vector.shape_cast %swap3A_333 : vector<1x1x16xf32> to vector<16xf32>
        %swap3A_335 = vector.shape_cast %get3A_329 : vector<16xf32> to vector<1x1x16xf32>
        tpu.vector_store %arg9[%swap3A_330, %swap3A_331, %swap3A_332], %swap3A_335 {add = true, strides = array<i32>} : memref<3x80x128xf32, #tpu.memory_space<vmem>>, vector<1x1x16xf32>,
        %get3A_336 = arith.constant 2 : i32
        %get3A_337 = arith.index_cast %get3A_336 : i32 to index
        %get3A_338 = arith.index_cast %scan3A_324 : i32 to index
        %get3A_339 = arith.constant 16 : index
        %get3A_340 = tpu.vector_load %arg10[%get3A_337, %get3A_338, %get3A_339] {strides = array<i32>} : memref<3x80x128xf32, #tpu.memory_space<vmem>>, vector<1x1x16xf32>,
        %get3A_341 = vector.shape_cast %get3A_340 : vector<1x1x16xf32> to vector<16xf32>
        %swap3A_342 = arith.constant 2 : i32
        %swap3A_343 = arith.index_cast %swap3A_342 : i32 to index
        %swap3A_344 = arith.index_cast %scan3A_324 : i32 to index
        %swap3A_345 = arith.constant 16 : index
        %swap3A_346 = tpu.vector_load %arg9[%swap3A_343, %swap3A_344, %swap3A_345] {strides = array<i32>} : memref<3x80x128xf32, #tpu.memory_space<vmem>>, vector<1x1x16xf32>,
        %swap3A_347 = vector.shape_cast %swap3A_346 : vector<1x1x16xf32> to vector<16xf32>
        %swap3A_348 = vector.shape_cast %get3A_341 : vector<16xf32> to vector<1x1x16xf32>
        tpu.vector_store %arg9[%swap3A_343, %swap3A_344, %swap3A_345], %swap3A_348 {add = true, strides = array<i32>} : memref<3x80x128xf32, #tpu.memory_space<vmem>>, vector<1x1x16xf32>,
        %get3A_349 = arith.constant 2 : i32
        %get3A_350 = arith.index_cast %get3A_349 : i32 to index
        %get3A_351 = arith.index_cast %scan3A_324 : i32 to index
        %get3A_352 = arith.constant 32 : index
        %get3A_353 = tpu.vector_load %arg10[%get3A_350, %get3A_351, %get3A_352] {strides = array<i32>} : memref<3x80x128xf32, #tpu.memory_space<vmem>>, vector<1x1x16xf32>,
        %get3A_354 = vector.shape_cast %get3A_353 : vector<1x1x16xf32> to vector<16xf32>
        %swap3A_355 = arith.constant 2 : i32
        %swap3A_356 = arith.index_cast %swap3A_355 : i32 to index
        %swap3A_357 = arith.index_cast %scan3A_324 : i32 to index
        %swap3A_358 = arith.constant 32 : index
        %swap3A_359 = tpu.vector_load %arg9[%swap3A_356, %swap3A_357, %swap3A_358] {strides = array<i32>} : memref<3x80x128xf32, #tpu.memory_space<vmem>>, vector<1x1x16xf32>,
        %swap3A_360 = vector.shape_cast %swap3A_359 : vector<1x1x16xf32> to vector<16xf32>
        %swap3A_361 = vector.shape_cast %get3A_354 : vector<16xf32> to vector<1x1x16xf32>
        tpu.vector_store %arg9[%swap3A_356, %swap3A_357, %swap3A_358], %swap3A_361 {add = true, strides = array<i32>} : memref<3x80x128xf32, #tpu.memory_space<vmem>>, vector<1x1x16xf32>,
        %get3A_362 = arith.constant 2 : i32
        %get3A_363 = arith.index_cast %get3A_362 : i32 to index
        %get3A_364 = arith.index_cast %scan3A_324 : i32 to index
        %get3A_365 = arith.constant 48 : index
        %get3A_366 = tpu.vector_load %arg10[%get3A_363, %get3A_364, %get3A_365] {strides = array<i32>} : memref<3x80x128xf32, #tpu.memory_space<vmem>>, vector<1x1x16xf32>,
        %get3A_367 = vector.shape_cast %get3A_366 : vector<1x1x16xf32> to vector<16xf32>
        %swap3A_368 = arith.constant 2 : i32
        %swap3A_369 = arith.index_cast %swap3A_368 : i32 to index
        %swap3A_370 = arith.index_cast %scan3A_324 : i32 to index
        %swap3A_371 = arith.constant 48 : index
        %swap3A_372 = tpu.vector_load %arg9[%swap3A_369, %swap3A_370, %swap3A_371] {strides = array<i32>} : memref<3x80x128xf32, #tpu.memory_space<vmem>>, vector<1x1x16xf32>,
        %swap3A_373 = vector.shape_cast %swap3A_372 : vector<1x1x16xf32> to vector<16xf32>
        %swap3A_374 = vector.shape_cast %get3A_367 : vector<16xf32> to vector<1x1x16xf32>
        tpu.vector_store %arg9[%swap3A_369, %swap3A_370, %swap3A_371], %swap3A_374 {add = true, strides = array<i32>} : memref<3x80x128xf32, #tpu.memory_space<vmem>>, vector<1x1x16xf32>,
        %get3A_375 = arith.constant 2 : i32
        %get3A_376 = arith.index_cast %get3A_375 : i32 to index
        %get3A_377 = arith.index_cast %scan3A_324 : i32 to index
        %get3A_378 = arith.constant 64 : index
        %get3A_379 = tpu.vector_load %arg10[%get3A_376, %get3A_377, %get3A_378] {strides = array<i32>} : memref<3x80x128xf32, #tpu.memory_space<vmem>>, vector<1x1x16xf32>,
        %get3A_380 = vector.shape_cast %get3A_379 : vector<1x1x16xf32> to vector<16xf32>
        %swap3A_381 = arith.constant 2 : i32
        %swap3A_382 = arith.index_cast %swap3A_381 : i32 to index
        %swap3A_383 = arith.index_cast %scan3A_324 : i32 to index
        %swap3A_384 = arith.constant 64 : index
        %swap3A_385 = tpu.vector_load %arg9[%swap3A_382, %swap3A_383, %swap3A_384] {strides = array<i32>} : memref<3x80x128xf32, #tpu.memory_space<vmem>>, vector<1x1x16xf32>,
        %swap3A_386 = vector.shape_cast %swap3A_385 : vector<1x1x16xf32> to vector<16xf32>
        %swap3A_387 = vector.shape_cast %get3A_380 : vector<16xf32> to vector<1x1x16xf32>
        tpu.vector_store %arg9[%swap3A_382, %swap3A_383, %swap3A_384], %swap3A_387 {add = true, strides = array<i32>} : memref<3x80x128xf32, #tpu.memory_space<vmem>>, vector<1x1x16xf32>,
        %get3A_388 = arith.constant 2 : i32
        %get3A_389 = arith.index_cast %get3A_388 : i32 to index
        %get3A_390 = arith.index_cast %scan3A_324 : i32 to index
        %get3A_391 = arith.constant 80 : index
        %get3A_392 = tpu.vector_load %arg10[%get3A_389, %get3A_390, %get3A_391] {strides = array<i32>} : memref<3x80x128xf32, #tpu.memory_space<vmem>>, vector<1x1x16xf32>,
        %get3A_393 = vector.shape_cast %get3A_392 : vector<1x1x16xf32> to vector<16xf32>
        %swap3A_394 = arith.constant 2 : i32
        %swap3A_395 = arith.index_cast %swap3A_394 : i32 to index
        %swap3A_396 = arith.index_cast %scan3A_324 : i32 to index
        %swap3A_397 = arith.constant 80 : index
        %swap3A_398 = tpu.vector_load %arg9[%swap3A_395, %swap3A_396, %swap3A_397] {strides = array<i32>} : memref<3x80x128xf32, #tpu.memory_space<vmem>>, vector<1x1x16xf32>,
        %swap3A_399 = vector.shape_cast %swap3A_398 : vector<1x1x16xf32> to vector<16xf32>
        %swap3A_400 = vector.shape_cast %get3A_393 : vector<16xf32> to vector<1x1x16xf32>
        tpu.vector_store %arg9[%swap3A_395, %swap3A_396, %swap3A_397], %swap3A_400 {add = true, strides = array<i32>} : memref<3x80x128xf32, #tpu.memory_space<vmem>>, vector<1x1x16xf32>,
        %get3A_401 = arith.constant 2 : i32
        %get3A_402 = arith.index_cast %get3A_401 : i32 to index
        %get3A_403 = arith.index_cast %scan3A_324 : i32 to index
        %get3A_404 = arith.constant 96 : index
        %get3A_405 = tpu.vector_load %arg10[%get3A_402, %get3A_403, %get3A_404] {strides = array<i32>} : memref<3x80x128xf32, #tpu.memory_space<vmem>>, vector<1x1x16xf32>,
        %get3A_406 = vector.shape_cast %get3A_405 : vector<1x1x16xf32> to vector<16xf32>
        %swap3A_407 = arith.constant 2 : i32
        %swap3A_408 = arith.index_cast %swap3A_407 : i32 to index
        %swap3A_409 = arith.index_cast %scan3A_324 : i32 to index
        %swap3A_410 = arith.constant 96 : index
        %swap3A_411 = tpu.vector_load %arg9[%swap3A_408, %swap3A_409, %swap3A_410] {strides = array<i32>} : memref<3x80x128xf32, #tpu.memory_space<vmem>>, vector<1x1x16xf32>,
        %swap3A_412 = vector.shape_cast %swap3A_411 : vector<1x1x16xf32> to vector<16xf32>
        %swap3A_413 = vector.shape_cast %get3A_406 : vector<16xf32> to vector<1x1x16xf32>
        tpu.vector_store %arg9[%swap3A_408, %swap3A_409, %swap3A_410], %swap3A_413 {add = true, strides = array<i32>} : memref<3x80x128xf32, #tpu.memory_space<vmem>>, vector<1x1x16xf32>,
        %get3A_414 = arith.constant 2 : i32
        %get3A_415 = arith.index_cast %get3A_414 : i32 to index
        %get3A_416 = arith.index_cast %scan3A_324 : i32 to index
        %get3A_417 = arith.constant 112 : index
        %get3A_418 = tpu.vector_load %arg10[%get3A_415, %get3A_416, %get3A_417] {strides = array<i32>} : memref<3x80x128xf32, #tpu.memory_space<vmem>>, vector<1x1x16xf32>,
        %get3A_419 = vector.shape_cast %get3A_418 : vector<1x1x16xf32> to vector<16xf32>
        %swap3A_420 = arith.constant 2 : i32
        %swap3A_421 = arith.index_cast %swap3A_420 : i32 to index
        %swap3A_422 = arith.index_cast %scan3A_324 : i32 to index
        %swap3A_423 = arith.constant 112 : index
        %swap3A_424 = tpu.vector_load %arg9[%swap3A_421, %swap3A_422, %swap3A_423] {strides = array<i32>} : memref<3x80x128xf32, #tpu.memory_space<vmem>>, vector<1x1x16xf32>,
        %swap3A_425 = vector.shape_cast %swap3A_424 : vector<1x1x16xf32> to vector<16xf32>
        %swap3A_426 = vector.shape_cast %get3A_419 : vector<16xf32> to vector<1x1x16xf32>
        tpu.vector_store %arg9[%swap3A_421, %swap3A_422, %swap3A_423], %swap3A_426 {add = true, strides = array<i32>} : memref<3x80x128xf32, #tpu.memory_space<vmem>>, vector<1x1x16xf32>,
      }
      %scan3A_307 = arith.constant 80 : i32
      %mul3A_308 = arith.constant 80 : i32
      %mul3A_309 = arith.muli %add3A_274, %mul3A_308 : i32
      %add3A_310 = arith.addi %mul3A_2, %mul3A_309 : i32
      %dma_start3A_311 = arith.constant 2 : i32
      %dma_start3A_312 = arith.constant 0 : i32
      %dma_start3A_313 = arith.constant 0 : i32
      %dma_start3A_314 = tpu.memref_slice %arg9[%dma_start3A_311, %dma_start3A_312, %dma_start3A_313] : memref<3x80x128xf32, #tpu.memory_space<vmem>> -> memref<1x80x128xf32, #tpu.memory_space<vmem>>
      %dma_start3A_315 = tpu.memref_squeeze %dma_start3A_314 : memref<1x80x128xf32, #tpu.memory_space<vmem>> -> memref<80x128xf32, #tpu.memory_space<vmem>>
      %dma_start3A_316 = arith.constant 0 : i32
      %dma_start3A_317 = tpu.memref_slice %arg6[%add3A_310, %dma_start3A_316] : memref<320000x128xf32, #tpu.memory_space<hbm>> -> memref<80x128xf32, #tpu.memory_space<hbm>>
      %dma_start3A_318 = arith.constant 0 : i32
      %dma_start3A_319 = tpu.memref_slice %arg6[%add3A_310, %dma_start3A_318] : memref<320000x128xf32, #tpu.memory_space<hbm>> -> memref<80x128xf32, #tpu.memory_space<hbm>>
      %dma_start3A_320 = arith.constant 0 : i32
      %dma_start3A_321 = arith.constant 0 : i32
      %dma_start3A_322 = tpu.memref_slice %arg9[%dma_start3A_311, %dma_start3A_320, %dma_start3A_321] : memref<3x80x128xf32, #tpu.memory_space<vmem>> -> memref<1x80x128xf32, #tpu.memory_space<vmem>>
      %dma_start3A_323 = tpu.memref_squeeze %dma_start3A_322 : memref<1x80x128xf32, #tpu.memory_space<vmem>> -> memref<80x128xf32, #tpu.memory_space<vmem>>
      tpu.enqueue_dma source(%dma_start3A_323 : memref<80x128xf32, #tpu.memory_space<vmem>>) target(%dma_start3A_319 : memref<80x128xf32, #tpu.memory_space<hbm>>) target_semaphore(%arg16 : memref<!tpu.dma_semaphore, #tpu.memory_space<semaphore_mem>>)
    }
    %scan3A_46 = arith.constant 41 : i32
    %dma_wait3A = arith.constant 0 : i32
    %dma_wait3A_47 = arith.constant 0 : i32
    %dma_wait3A_48 = arith.constant 0 : i32
    %dma_wait3A_49 = tpu.memref_slice %arg9[%dma_wait3A, %dma_wait3A_47, %dma_wait3A_48] : memref<3x80x128xf32, #tpu.memory_space<vmem>> -> memref<1x80x128xf32, #tpu.memory_space<vmem>>
    %dma_wait3A_50 = tpu.memref_squeeze %dma_wait3A_49 : memref<1x80x128xf32, #tpu.memory_space<vmem>> -> memref<80x128xf32, #tpu.memory_space<vmem>>
    %dma_wait3A_51 = arith.constant 0 : i32
    %dma_wait3A_52 = tpu.memref_slice %arg7[%dma_wait3A_51] : memref<10000xi32, #tpu.memory_space<vmem>> -> memref<80xi32, #tpu.memory_space<vmem>>
    %dma_wait3A_53 = arith.constant 0 : i32
    %dma_wait3A_54 = arith.constant 0 : i32
    %dma_wait3A_55 = tpu.memref_slice %arg2[%dma_wait3A_53, %dma_wait3A_54] : memref<10000x128xf32, #tpu.memory_space<hbm>> -> memref<10000x128xf32, #tpu.memory_space<hbm>>
    tpu.wait_indirect_dma semaphore(%arg11 : memref<!tpu.dma_semaphore, #tpu.memory_space<semaphore_mem>>) src(%dma_wait3A_55 : memref<10000x128xf32, #tpu.memory_space<hbm>>) dst(%dma_wait3A_50 : memref<80x128xf32, #tpu.memory_space<vmem>>)
    %dma_wait3A_56 = arith.constant 0 : i32
    %dma_wait3A_57 = arith.constant 0 : i32
    %dma_wait3A_58 = arith.constant 0 : i32
    %dma_wait3A_59 = tpu.memref_slice %arg10[%dma_wait3A_56, %dma_wait3A_57, %dma_wait3A_58] : memref<3x80x128xf32, #tpu.memory_space<vmem>> -> memref<1x80x128xf32, #tpu.memory_space<vmem>>
    %dma_wait3A_60 = tpu.memref_squeeze %dma_wait3A_59 : memref<1x80x128xf32, #tpu.memory_space<vmem>> -> memref<80x128xf32, #tpu.memory_space<vmem>>
    %dma_wait3A_61 = arith.constant 0 : i32
    %dma_wait3A_62 = tpu.memref_slice %arg8[%dma_wait3A_61] : memref<10000xi32, #tpu.memory_space<vmem>> -> memref<80xi32, #tpu.memory_space<vmem>>
    %dma_wait3A_63 = arith.constant 0 : i32
    %dma_wait3A_64 = arith.constant 0 : i32
    %dma_wait3A_65 = tpu.memref_slice %arg3[%dma_wait3A_63, %dma_wait3A_64] : memref<10000x128xf32, #tpu.memory_space<hbm>> -> memref<10000x128xf32, #tpu.memory_space<hbm>>
    tpu.wait_indirect_dma semaphore(%arg11 : memref<!tpu.dma_semaphore, #tpu.memory_space<semaphore_mem>>) src(%dma_wait3A_65 : memref<10000x128xf32, #tpu.memory_space<hbm>>) dst(%dma_wait3A_60 : memref<80x128xf32, #tpu.memory_space<vmem>>)
    %scan3A_66 = arith.constant 0 : i32
    %scan3A_67 = arith.constant 0 : i32
    %scan3A_68 = arith.constant 80 : i32
    %scan3A_69 = arith.addi %scan3A_67, %scan3A_68 : i32
    %scan3A_70 = arith.constant 1 : i32
    scf.for %scan3A_167 = %scan3A_67 to %scan3A_69 step %scan3A_70  : i32 {
      %get3A = arith.constant 0 : i32
      %get3A_168 = arith.index_cast %get3A : i32 to index
      %get3A_169 = arith.index_cast %scan3A_167 : i32 to index
      %get3A_170 = arith.constant 0 : index
      %get3A_171 = tpu.vector_load %arg10[%get3A_168, %get3A_169, %get3A_170] {strides = array<i32>} : memref<3x80x128xf32, #tpu.memory_space<vmem>>, vector<1x1x16xf32>,
      %get3A_172 = vector.shape_cast %get3A_171 : vector<1x1x16xf32> to vector<16xf32>
      %swap3A = arith.constant 0 : i32
      %swap3A_173 = arith.index_cast %swap3A : i32 to index
      %swap3A_174 = arith.index_cast %scan3A_167 : i32 to index
      %swap3A_175 = arith.constant 0 : index
      %swap3A_176 = tpu.vector_load %arg9[%swap3A_173, %swap3A_174, %swap3A_175] {strides = array<i32>} : memref<3x80x128xf32, #tpu.memory_space<vmem>>, vector<1x1x16xf32>,
      %swap3A_177 = vector.shape_cast %swap3A_176 : vector<1x1x16xf32> to vector<16xf32>
      %swap3A_178 = vector.shape_cast %get3A_172 : vector<16xf32> to vector<1x1x16xf32>
      tpu.vector_store %arg9[%swap3A_173, %swap3A_174, %swap3A_175], %swap3A_178 {add = true, strides = array<i32>} : memref<3x80x128xf32, #tpu.memory_space<vmem>>, vector<1x1x16xf32>,
      %get3A_179 = arith.constant 0 : i32
      %get3A_180 = arith.index_cast %get3A_179 : i32 to index
      %get3A_181 = arith.index_cast %scan3A_167 : i32 to index
      %get3A_182 = arith.constant 16 : index
      %get3A_183 = tpu.vector_load %arg10[%get3A_180, %get3A_181, %get3A_182] {strides = array<i32>} : memref<3x80x128xf32, #tpu.memory_space<vmem>>, vector<1x1x16xf32>,
      %get3A_184 = vector.shape_cast %get3A_183 : vector<1x1x16xf32> to vector<16xf32>
      %swap3A_185 = arith.constant 0 : i32
      %swap3A_186 = arith.index_cast %swap3A_185 : i32 to index
      %swap3A_187 = arith.index_cast %scan3A_167 : i32 to index
      %swap3A_188 = arith.constant 16 : index
      %swap3A_189 = tpu.vector_load %arg9[%swap3A_186, %swap3A_187, %swap3A_188] {strides = array<i32>} : memref<3x80x128xf32, #tpu.memory_space<vmem>>, vector<1x1x16xf32>,
      %swap3A_190 = vector.shape_cast %swap3A_189 : vector<1x1x16xf32> to vector<16xf32>
      %swap3A_191 = vector.shape_cast %get3A_184 : vector<16xf32> to vector<1x1x16xf32>
      tpu.vector_store %arg9[%swap3A_186, %swap3A_187, %swap3A_188], %swap3A_191 {add = true, strides = array<i32>} : memref<3x80x128xf32, #tpu.memory_space<vmem>>, vector<1x1x16xf32>,
      %get3A_192 = arith.constant 0 : i32
      %get3A_193 = arith.index_cast %get3A_192 : i32 to index
      %get3A_194 = arith.index_cast %scan3A_167 : i32 to index
      %get3A_195 = arith.constant 32 : index
      %get3A_196 = tpu.vector_load %arg10[%get3A_193, %get3A_194, %get3A_195] {strides = array<i32>} : memref<3x80x128xf32, #tpu.memory_space<vmem>>, vector<1x1x16xf32>,
      %get3A_197 = vector.shape_cast %get3A_196 : vector<1x1x16xf32> to vector<16xf32>
      %swap3A_198 = arith.constant 0 : i32
      %swap3A_199 = arith.index_cast %swap3A_198 : i32 to index
      %swap3A_200 = arith.index_cast %scan3A_167 : i32 to index
      %swap3A_201 = arith.constant 32 : index
      %swap3A_202 = tpu.vector_load %arg9[%swap3A_199, %swap3A_200, %swap3A_201] {strides = array<i32>} : memref<3x80x128xf32, #tpu.memory_space<vmem>>, vector<1x1x16xf32>,
      %swap3A_203 = vector.shape_cast %swap3A_202 : vector<1x1x16xf32> to vector<16xf32>
      %swap3A_204 = vector.shape_cast %get3A_197 : vector<16xf32> to vector<1x1x16xf32>
      tpu.vector_store %arg9[%swap3A_199, %swap3A_200, %swap3A_201], %swap3A_204 {add = true, strides = array<i32>} : memref<3x80x128xf32, #tpu.memory_space<vmem>>, vector<1x1x16xf32>,
      %get3A_205 = arith.constant 0 : i32
      %get3A_206 = arith.index_cast %get3A_205 : i32 to index
      %get3A_207 = arith.index_cast %scan3A_167 : i32 to index
      %get3A_208 = arith.constant 48 : index
      %get3A_209 = tpu.vector_load %arg10[%get3A_206, %get3A_207, %get3A_208] {strides = array<i32>} : memref<3x80x128xf32, #tpu.memory_space<vmem>>, vector<1x1x16xf32>,
      %get3A_210 = vector.shape_cast %get3A_209 : vector<1x1x16xf32> to vector<16xf32>
      %swap3A_211 = arith.constant 0 : i32
      %swap3A_212 = arith.index_cast %swap3A_211 : i32 to index
      %swap3A_213 = arith.index_cast %scan3A_167 : i32 to index
      %swap3A_214 = arith.constant 48 : index
      %swap3A_215 = tpu.vector_load %arg9[%swap3A_212, %swap3A_213, %swap3A_214] {strides = array<i32>} : memref<3x80x128xf32, #tpu.memory_space<vmem>>, vector<1x1x16xf32>,
      %swap3A_216 = vector.shape_cast %swap3A_215 : vector<1x1x16xf32> to vector<16xf32>
      %swap3A_217 = vector.shape_cast %get3A_210 : vector<16xf32> to vector<1x1x16xf32>
      tpu.vector_store %arg9[%swap3A_212, %swap3A_213, %swap3A_214], %swap3A_217 {add = true, strides = array<i32>} : memref<3x80x128xf32, #tpu.memory_space<vmem>>, vector<1x1x16xf32>,
      %get3A_218 = arith.constant 0 : i32
      %get3A_219 = arith.index_cast %get3A_218 : i32 to index
      %get3A_220 = arith.index_cast %scan3A_167 : i32 to index
      %get3A_221 = arith.constant 64 : index
      %get3A_222 = tpu.vector_load %arg10[%get3A_219, %get3A_220, %get3A_221] {strides = array<i32>} : memref<3x80x128xf32, #tpu.memory_space<vmem>>, vector<1x1x16xf32>,
      %get3A_223 = vector.shape_cast %get3A_222 : vector<1x1x16xf32> to vector<16xf32>
      %swap3A_224 = arith.constant 0 : i32
      %swap3A_225 = arith.index_cast %swap3A_224 : i32 to index
      %swap3A_226 = arith.index_cast %scan3A_167 : i32 to index
      %swap3A_227 = arith.constant 64 : index
      %swap3A_228 = tpu.vector_load %arg9[%swap3A_225, %swap3A_226, %swap3A_227] {strides = array<i32>} : memref<3x80x128xf32, #tpu.memory_space<vmem>>, vector<1x1x16xf32>,
      %swap3A_229 = vector.shape_cast %swap3A_228 : vector<1x1x16xf32> to vector<16xf32>
      %swap3A_230 = vector.shape_cast %get3A_223 : vector<16xf32> to vector<1x1x16xf32>
      tpu.vector_store %arg9[%swap3A_225, %swap3A_226, %swap3A_227], %swap3A_230 {add = true, strides = array<i32>} : memref<3x80x128xf32, #tpu.memory_space<vmem>>, vector<1x1x16xf32>,
      %get3A_231 = arith.constant 0 : i32
      %get3A_232 = arith.index_cast %get3A_231 : i32 to index
      %get3A_233 = arith.index_cast %scan3A_167 : i32 to index
      %get3A_234 = arith.constant 80 : index
      %get3A_235 = tpu.vector_load %arg10[%get3A_232, %get3A_233, %get3A_234] {strides = array<i32>} : memref<3x80x128xf32, #tpu.memory_space<vmem>>, vector<1x1x16xf32>,
      %get3A_236 = vector.shape_cast %get3A_235 : vector<1x1x16xf32> to vector<16xf32>
      %swap3A_237 = arith.constant 0 : i32
      %swap3A_238 = arith.index_cast %swap3A_237 : i32 to index
      %swap3A_239 = arith.index_cast %scan3A_167 : i32 to index
      %swap3A_240 = arith.constant 80 : index
      %swap3A_241 = tpu.vector_load %arg9[%swap3A_238, %swap3A_239, %swap3A_240] {strides = array<i32>} : memref<3x80x128xf32, #tpu.memory_space<vmem>>, vector<1x1x16xf32>,
      %swap3A_242 = vector.shape_cast %swap3A_241 : vector<1x1x16xf32> to vector<16xf32>
      %swap3A_243 = vector.shape_cast %get3A_236 : vector<16xf32> to vector<1x1x16xf32>
      tpu.vector_store %arg9[%swap3A_238, %swap3A_239, %swap3A_240], %swap3A_243 {add = true, strides = array<i32>} : memref<3x80x128xf32, #tpu.memory_space<vmem>>, vector<1x1x16xf32>,
      %get3A_244 = arith.constant 0 : i32
      %get3A_245 = arith.index_cast %get3A_244 : i32 to index
      %get3A_246 = arith.index_cast %scan3A_167 : i32 to index
      %get3A_247 = arith.constant 96 : index
      %get3A_248 = tpu.vector_load %arg10[%get3A_245, %get3A_246, %get3A_247] {strides = array<i32>} : memref<3x80x128xf32, #tpu.memory_space<vmem>>, vector<1x1x16xf32>,
      %get3A_249 = vector.shape_cast %get3A_248 : vector<1x1x16xf32> to vector<16xf32>
      %swap3A_250 = arith.constant 0 : i32
      %swap3A_251 = arith.index_cast %swap3A_250 : i32 to index
      %swap3A_252 = arith.index_cast %scan3A_167 : i32 to index
      %swap3A_253 = arith.constant 96 : index
      %swap3A_254 = tpu.vector_load %arg9[%swap3A_251, %swap3A_252, %swap3A_253] {strides = array<i32>} : memref<3x80x128xf32, #tpu.memory_space<vmem>>, vector<1x1x16xf32>,
      %swap3A_255 = vector.shape_cast %swap3A_254 : vector<1x1x16xf32> to vector<16xf32>
      %swap3A_256 = vector.shape_cast %get3A_249 : vector<16xf32> to vector<1x1x16xf32>
      tpu.vector_store %arg9[%swap3A_251, %swap3A_252, %swap3A_253], %swap3A_256 {add = true, strides = array<i32>} : memref<3x80x128xf32, #tpu.memory_space<vmem>>, vector<1x1x16xf32>,
      %get3A_257 = arith.constant 0 : i32
      %get3A_258 = arith.index_cast %get3A_257 : i32 to index
      %get3A_259 = arith.index_cast %scan3A_167 : i32 to index
      %get3A_260 = arith.constant 112 : index
      %get3A_261 = tpu.vector_load %arg10[%get3A_258, %get3A_259, %get3A_260] {strides = array<i32>} : memref<3x80x128xf32, #tpu.memory_space<vmem>>, vector<1x1x16xf32>,
      %get3A_262 = vector.shape_cast %get3A_261 : vector<1x1x16xf32> to vector<16xf32>
      %swap3A_263 = arith.constant 0 : i32
      %swap3A_264 = arith.index_cast %swap3A_263 : i32 to index
      %swap3A_265 = arith.index_cast %scan3A_167 : i32 to index
      %swap3A_266 = arith.constant 112 : index
      %swap3A_267 = tpu.vector_load %arg9[%swap3A_264, %swap3A_265, %swap3A_266] {strides = array<i32>} : memref<3x80x128xf32, #tpu.memory_space<vmem>>, vector<1x1x16xf32>,
      %swap3A_268 = vector.shape_cast %swap3A_267 : vector<1x1x16xf32> to vector<16xf32>
      %swap3A_269 = vector.shape_cast %get3A_262 : vector<16xf32> to vector<1x1x16xf32>
      tpu.vector_store %arg9[%swap3A_264, %swap3A_265, %swap3A_266], %swap3A_269 {add = true, strides = array<i32>} : memref<3x80x128xf32, #tpu.memory_space<vmem>>, vector<1x1x16xf32>,
    }
    %scan3A_71 = arith.constant 80 : i32
    %add3A_72 = arith.constant 9840 : i32
    %add3A_73 = arith.addi %mul3A_2, %add3A_72 : i32
    %dma_start3A_74 = arith.constant 0 : i32
    %dma_start3A_75 = arith.constant 0 : i32
    %dma_start3A_76 = arith.constant 0 : i32
    %dma_start3A_77 = tpu.memref_slice %arg9[%dma_start3A_74, %dma_start3A_75, %dma_start3A_76] : memref<3x80x128xf32, #tpu.memory_space<vmem>> -> memref<1x80x128xf32, #tpu.memory_space<vmem>>
    %dma_start3A_78 = tpu.memref_squeeze %dma_start3A_77 : memref<1x80x128xf32, #tpu.memory_space<vmem>> -> memref<80x128xf32, #tpu.memory_space<vmem>>
    %dma_start3A_79 = arith.constant 0 : i32
    %dma_start3A_80 = tpu.memref_slice %arg6[%add3A_73, %dma_start3A_79] : memref<320000x128xf32, #tpu.memory_space<hbm>> -> memref<80x128xf32, #tpu.memory_space<hbm>>
    %dma_start3A_81 = arith.constant 0 : i32
    %dma_start3A_82 = tpu.memref_slice %arg6[%add3A_73, %dma_start3A_81] : memref<320000x128xf32, #tpu.memory_space<hbm>> -> memref<80x128xf32, #tpu.memory_space<hbm>>
    %dma_start3A_83 = arith.constant 0 : i32
    %dma_start3A_84 = arith.constant 0 : i32
    %dma_start3A_85 = tpu.memref_slice %arg9[%dma_start3A_74, %dma_start3A_83, %dma_start3A_84] : memref<3x80x128xf32, #tpu.memory_space<vmem>> -> memref<1x80x128xf32, #tpu.memory_space<vmem>>
    %dma_start3A_86 = tpu.memref_squeeze %dma_start3A_85 : memref<1x80x128xf32, #tpu.memory_space<vmem>> -> memref<80x128xf32, #tpu.memory_space<vmem>>
    tpu.enqueue_dma source(%dma_start3A_86 : memref<80x128xf32, #tpu.memory_space<vmem>>) target(%dma_start3A_82 : memref<80x128xf32, #tpu.memory_space<hbm>>) target_semaphore(%arg14 : memref<!tpu.dma_semaphore, #tpu.memory_space<semaphore_mem>>)
    %dma_wait3A_87 = arith.constant 1 : i32
    %dma_wait3A_88 = arith.constant 0 : i32
    %dma_wait3A_89 = arith.constant 0 : i32
    %dma_wait3A_90 = tpu.memref_slice %arg9[%dma_wait3A_87, %dma_wait3A_88, %dma_wait3A_89] : memref<3x80x128xf32, #tpu.memory_space<vmem>> -> memref<1x80x128xf32, #tpu.memory_space<vmem>>
    %dma_wait3A_91 = tpu.memref_squeeze %dma_wait3A_90 : memref<1x80x128xf32, #tpu.memory_space<vmem>> -> memref<80x128xf32, #tpu.memory_space<vmem>>
    %dma_wait3A_92 = arith.constant 0 : i32
    %dma_wait3A_93 = tpu.memref_slice %arg7[%dma_wait3A_92] : memref<10000xi32, #tpu.memory_space<vmem>> -> memref<80xi32, #tpu.memory_space<vmem>>
    %dma_wait3A_94 = arith.constant 0 : i32
    %dma_wait3A_95 = arith.constant 0 : i32
    %dma_wait3A_96 = tpu.memref_slice %arg2[%dma_wait3A_94, %dma_wait3A_95] : memref<10000x128xf32, #tpu.memory_space<hbm>> -> memref<10000x128xf32, #tpu.memory_space<hbm>>
    tpu.wait_indirect_dma semaphore(%arg12 : memref<!tpu.dma_semaphore, #tpu.memory_space<semaphore_mem>>) src(%dma_wait3A_96 : memref<10000x128xf32, #tpu.memory_space<hbm>>) dst(%dma_wait3A_91 : memref<80x128xf32, #tpu.memory_space<vmem>>)
    %dma_wait3A_97 = arith.constant 1 : i32
    %dma_wait3A_98 = arith.constant 0 : i32
    %dma_wait3A_99 = arith.constant 0 : i32
    %dma_wait3A_100 = tpu.memref_slice %arg10[%dma_wait3A_97, %dma_wait3A_98, %dma_wait3A_99] : memref<3x80x128xf32, #tpu.memory_space<vmem>> -> memref<1x80x128xf32, #tpu.memory_space<vmem>>
    %dma_wait3A_101 = tpu.memref_squeeze %dma_wait3A_100 : memref<1x80x128xf32, #tpu.memory_space<vmem>> -> memref<80x128xf32, #tpu.memory_space<vmem>>
    %dma_wait3A_102 = arith.constant 0 : i32
    %dma_wait3A_103 = tpu.memref_slice %arg8[%dma_wait3A_102] : memref<10000xi32, #tpu.memory_space<vmem>> -> memref<80xi32, #tpu.memory_space<vmem>>
    %dma_wait3A_104 = arith.constant 0 : i32
    %dma_wait3A_105 = arith.constant 0 : i32
    %dma_wait3A_106 = tpu.memref_slice %arg3[%dma_wait3A_104, %dma_wait3A_105] : memref<10000x128xf32, #tpu.memory_space<hbm>> -> memref<10000x128xf32, #tpu.memory_space<hbm>>
    tpu.wait_indirect_dma semaphore(%arg12 : memref<!tpu.dma_semaphore, #tpu.memory_space<semaphore_mem>>) src(%dma_wait3A_106 : memref<10000x128xf32, #tpu.memory_space<hbm>>) dst(%dma_wait3A_101 : memref<80x128xf32, #tpu.memory_space<vmem>>)
    %scan3A_107 = arith.constant 0 : i32
    %scan3A_108 = arith.constant 0 : i32
    %scan3A_109 = arith.constant 80 : i32
    %scan3A_110 = arith.addi %scan3A_108, %scan3A_109 : i32
    %scan3A_111 = arith.constant 1 : i32
    scf.for %scan3A_167 = %scan3A_108 to %scan3A_110 step %scan3A_111  : i32 {
      %get3A = arith.constant 1 : i32
      %get3A_168 = arith.index_cast %get3A : i32 to index
      %get3A_169 = arith.index_cast %scan3A_167 : i32 to index
      %get3A_170 = arith.constant 0 : index
      %get3A_171 = tpu.vector_load %arg10[%get3A_168, %get3A_169, %get3A_170] {strides = array<i32>} : memref<3x80x128xf32, #tpu.memory_space<vmem>>, vector<1x1x16xf32>,
      %get3A_172 = vector.shape_cast %get3A_171 : vector<1x1x16xf32> to vector<16xf32>
      %swap3A = arith.constant 1 : i32
      %swap3A_173 = arith.index_cast %swap3A : i32 to index
      %swap3A_174 = arith.index_cast %scan3A_167 : i32 to index
      %swap3A_175 = arith.constant 0 : index
      %swap3A_176 = tpu.vector_load %arg9[%swap3A_173, %swap3A_174, %swap3A_175] {strides = array<i32>} : memref<3x80x128xf32, #tpu.memory_space<vmem>>, vector<1x1x16xf32>,
      %swap3A_177 = vector.shape_cast %swap3A_176 : vector<1x1x16xf32> to vector<16xf32>
      %swap3A_178 = vector.shape_cast %get3A_172 : vector<16xf32> to vector<1x1x16xf32>
      tpu.vector_store %arg9[%swap3A_173, %swap3A_174, %swap3A_175], %swap3A_178 {add = true, strides = array<i32>} : memref<3x80x128xf32, #tpu.memory_space<vmem>>, vector<1x1x16xf32>,
      %get3A_179 = arith.constant 1 : i32
      %get3A_180 = arith.index_cast %get3A_179 : i32 to index
      %get3A_181 = arith.index_cast %scan3A_167 : i32 to index
      %get3A_182 = arith.constant 16 : index
      %get3A_183 = tpu.vector_load %arg10[%get3A_180, %get3A_181, %get3A_182] {strides = array<i32>} : memref<3x80x128xf32, #tpu.memory_space<vmem>>, vector<1x1x16xf32>,
      %get3A_184 = vector.shape_cast %get3A_183 : vector<1x1x16xf32> to vector<16xf32>
      %swap3A_185 = arith.constant 1 : i32
      %swap3A_186 = arith.index_cast %swap3A_185 : i32 to index
      %swap3A_187 = arith.index_cast %scan3A_167 : i32 to index
      %swap3A_188 = arith.constant 16 : index
      %swap3A_189 = tpu.vector_load %arg9[%swap3A_186, %swap3A_187, %swap3A_188] {strides = array<i32>} : memref<3x80x128xf32, #tpu.memory_space<vmem>>, vector<1x1x16xf32>,
      %swap3A_190 = vector.shape_cast %swap3A_189 : vector<1x1x16xf32> to vector<16xf32>
      %swap3A_191 = vector.shape_cast %get3A_184 : vector<16xf32> to vector<1x1x16xf32>
      tpu.vector_store %arg9[%swap3A_186, %swap3A_187, %swap3A_188], %swap3A_191 {add = true, strides = array<i32>} : memref<3x80x128xf32, #tpu.memory_space<vmem>>, vector<1x1x16xf32>,
      %get3A_192 = arith.constant 1 : i32
      %get3A_193 = arith.index_cast %get3A_192 : i32 to index
      %get3A_194 = arith.index_cast %scan3A_167 : i32 to index
      %get3A_195 = arith.constant 32 : index
      %get3A_196 = tpu.vector_load %arg10[%get3A_193, %get3A_194, %get3A_195] {strides = array<i32>} : memref<3x80x128xf32, #tpu.memory_space<vmem>>, vector<1x1x16xf32>,
      %get3A_197 = vector.shape_cast %get3A_196 : vector<1x1x16xf32> to vector<16xf32>
      %swap3A_198 = arith.constant 1 : i32
      %swap3A_199 = arith.index_cast %swap3A_198 : i32 to index
      %swap3A_200 = arith.index_cast %scan3A_167 : i32 to index
      %swap3A_201 = arith.constant 32 : index
      %swap3A_202 = tpu.vector_load %arg9[%swap3A_199, %swap3A_200, %swap3A_201] {strides = array<i32>} : memref<3x80x128xf32, #tpu.memory_space<vmem>>, vector<1x1x16xf32>,
      %swap3A_203 = vector.shape_cast %swap3A_202 : vector<1x1x16xf32> to vector<16xf32>
      %swap3A_204 = vector.shape_cast %get3A_197 : vector<16xf32> to vector<1x1x16xf32>
      tpu.vector_store %arg9[%swap3A_199, %swap3A_200, %swap3A_201], %swap3A_204 {add = true, strides = array<i32>} : memref<3x80x128xf32, #tpu.memory_space<vmem>>, vector<1x1x16xf32>,
      %get3A_205 = arith.constant 1 : i32
      %get3A_206 = arith.index_cast %get3A_205 : i32 to index
      %get3A_207 = arith.index_cast %scan3A_167 : i32 to index
      %get3A_208 = arith.constant 48 : index
      %get3A_209 = tpu.vector_load %arg10[%get3A_206, %get3A_207, %get3A_208] {strides = array<i32>} : memref<3x80x128xf32, #tpu.memory_space<vmem>>, vector<1x1x16xf32>,
      %get3A_210 = vector.shape_cast %get3A_209 : vector<1x1x16xf32> to vector<16xf32>
      %swap3A_211 = arith.constant 1 : i32
      %swap3A_212 = arith.index_cast %swap3A_211 : i32 to index
      %swap3A_213 = arith.index_cast %scan3A_167 : i32 to index
      %swap3A_214 = arith.constant 48 : index
      %swap3A_215 = tpu.vector_load %arg9[%swap3A_212, %swap3A_213, %swap3A_214] {strides = array<i32>} : memref<3x80x128xf32, #tpu.memory_space<vmem>>, vector<1x1x16xf32>,
      %swap3A_216 = vector.shape_cast %swap3A_215 : vector<1x1x16xf32> to vector<16xf32>
      %swap3A_217 = vector.shape_cast %get3A_210 : vector<16xf32> to vector<1x1x16xf32>
      tpu.vector_store %arg9[%swap3A_212, %swap3A_213, %swap3A_214], %swap3A_217 {add = true, strides = array<i32>} : memref<3x80x128xf32, #tpu.memory_space<vmem>>, vector<1x1x16xf32>,
      %get3A_218 = arith.constant 1 : i32
      %get3A_219 = arith.index_cast %get3A_218 : i32 to index
      %get3A_220 = arith.index_cast %scan3A_167 : i32 to index
      %get3A_221 = arith.constant 64 : index
      %get3A_222 = tpu.vector_load %arg10[%get3A_219, %get3A_220, %get3A_221] {strides = array<i32>} : memref<3x80x128xf32, #tpu.memory_space<vmem>>, vector<1x1x16xf32>,
      %get3A_223 = vector.shape_cast %get3A_222 : vector<1x1x16xf32> to vector<16xf32>
      %swap3A_224 = arith.constant 1 : i32
      %swap3A_225 = arith.index_cast %swap3A_224 : i32 to index
      %swap3A_226 = arith.index_cast %scan3A_167 : i32 to index
      %swap3A_227 = arith.constant 64 : index
      %swap3A_228 = tpu.vector_load %arg9[%swap3A_225, %swap3A_226, %swap3A_227] {strides = array<i32>} : memref<3x80x128xf32, #tpu.memory_space<vmem>>, vector<1x1x16xf32>,
      %swap3A_229 = vector.shape_cast %swap3A_228 : vector<1x1x16xf32> to vector<16xf32>
      %swap3A_230 = vector.shape_cast %get3A_223 : vector<16xf32> to vector<1x1x16xf32>
      tpu.vector_store %arg9[%swap3A_225, %swap3A_226, %swap3A_227], %swap3A_230 {add = true, strides = array<i32>} : memref<3x80x128xf32, #tpu.memory_space<vmem>>, vector<1x1x16xf32>,
      %get3A_231 = arith.constant 1 : i32
      %get3A_232 = arith.index_cast %get3A_231 : i32 to index
      %get3A_233 = arith.index_cast %scan3A_167 : i32 to index
      %get3A_234 = arith.constant 80 : index
      %get3A_235 = tpu.vector_load %arg10[%get3A_232, %get3A_233, %get3A_234] {strides = array<i32>} : memref<3x80x128xf32, #tpu.memory_space<vmem>>, vector<1x1x16xf32>,
      %get3A_236 = vector.shape_cast %get3A_235 : vector<1x1x16xf32> to vector<16xf32>
      %swap3A_237 = arith.constant 1 : i32
      %swap3A_238 = arith.index_cast %swap3A_237 : i32 to index
      %swap3A_239 = arith.index_cast %scan3A_167 : i32 to index
      %swap3A_240 = arith.constant 80 : index
      %swap3A_241 = tpu.vector_load %arg9[%swap3A_238, %swap3A_239, %swap3A_240] {strides = array<i32>} : memref<3x80x128xf32, #tpu.memory_space<vmem>>, vector<1x1x16xf32>,
      %swap3A_242 = vector.shape_cast %swap3A_241 : vector<1x1x16xf32> to vector<16xf32>
      %swap3A_243 = vector.shape_cast %get3A_236 : vector<16xf32> to vector<1x1x16xf32>
      tpu.vector_store %arg9[%swap3A_238, %swap3A_239, %swap3A_240], %swap3A_243 {add = true, strides = array<i32>} : memref<3x80x128xf32, #tpu.memory_space<vmem>>, vector<1x1x16xf32>,
      %get3A_244 = arith.constant 1 : i32
      %get3A_245 = arith.index_cast %get3A_244 : i32 to index
      %get3A_246 = arith.index_cast %scan3A_167 : i32 to index
      %get3A_247 = arith.constant 96 : index
      %get3A_248 = tpu.vector_load %arg10[%get3A_245, %get3A_246, %get3A_247] {strides = array<i32>} : memref<3x80x128xf32, #tpu.memory_space<vmem>>, vector<1x1x16xf32>,
      %get3A_249 = vector.shape_cast %get3A_248 : vector<1x1x16xf32> to vector<16xf32>
      %swap3A_250 = arith.constant 1 : i32
      %swap3A_251 = arith.index_cast %swap3A_250 : i32 to index
      %swap3A_252 = arith.index_cast %scan3A_167 : i32 to index
      %swap3A_253 = arith.constant 96 : index
      %swap3A_254 = tpu.vector_load %arg9[%swap3A_251, %swap3A_252, %swap3A_253] {strides = array<i32>} : memref<3x80x128xf32, #tpu.memory_space<vmem>>, vector<1x1x16xf32>,
      %swap3A_255 = vector.shape_cast %swap3A_254 : vector<1x1x16xf32> to vector<16xf32>
      %swap3A_256 = vector.shape_cast %get3A_249 : vector<16xf32> to vector<1x1x16xf32>
      tpu.vector_store %arg9[%swap3A_251, %swap3A_252, %swap3A_253], %swap3A_256 {add = true, strides = array<i32>} : memref<3x80x128xf32, #tpu.memory_space<vmem>>, vector<1x1x16xf32>,
      %get3A_257 = arith.constant 1 : i32
      %get3A_258 = arith.index_cast %get3A_257 : i32 to index
      %get3A_259 = arith.index_cast %scan3A_167 : i32 to index
      %get3A_260 = arith.constant 112 : index
      %get3A_261 = tpu.vector_load %arg10[%get3A_258, %get3A_259, %get3A_260] {strides = array<i32>} : memref<3x80x128xf32, #tpu.memory_space<vmem>>, vector<1x1x16xf32>,
      %get3A_262 = vector.shape_cast %get3A_261 : vector<1x1x16xf32> to vector<16xf32>
      %swap3A_263 = arith.constant 1 : i32
      %swap3A_264 = arith.index_cast %swap3A_263 : i32 to index
      %swap3A_265 = arith.index_cast %scan3A_167 : i32 to index
      %swap3A_266 = arith.constant 112 : index
      %swap3A_267 = tpu.vector_load %arg9[%swap3A_264, %swap3A_265, %swap3A_266] {strides = array<i32>} : memref<3x80x128xf32, #tpu.memory_space<vmem>>, vector<1x1x16xf32>,
      %swap3A_268 = vector.shape_cast %swap3A_267 : vector<1x1x16xf32> to vector<16xf32>
      %swap3A_269 = vector.shape_cast %get3A_262 : vector<16xf32> to vector<1x1x16xf32>
      tpu.vector_store %arg9[%swap3A_264, %swap3A_265, %swap3A_266], %swap3A_269 {add = true, strides = array<i32>} : memref<3x80x128xf32, #tpu.memory_space<vmem>>, vector<1x1x16xf32>,
    }
    %scan3A_112 = arith.constant 80 : i32
    %add3A_113 = arith.constant 9920 : i32
    %add3A_114 = arith.addi %mul3A_2, %add3A_113 : i32
    %dma_start3A_115 = arith.constant 1 : i32
    %dma_start3A_116 = arith.constant 0 : i32
    %dma_start3A_117 = arith.constant 0 : i32
    %dma_start3A_118 = tpu.memref_slice %arg9[%dma_start3A_115, %dma_start3A_116, %dma_start3A_117] : memref<3x80x128xf32, #tpu.memory_space<vmem>> -> memref<1x80x128xf32, #tpu.memory_space<vmem>>
    %dma_start3A_119 = tpu.memref_squeeze %dma_start3A_118 : memref<1x80x128xf32, #tpu.memory_space<vmem>> -> memref<80x128xf32, #tpu.memory_space<vmem>>
    %dma_start3A_120 = arith.constant 0 : i32
    %dma_start3A_121 = tpu.memref_slice %arg6[%add3A_114, %dma_start3A_120] : memref<320000x128xf32, #tpu.memory_space<hbm>> -> memref<80x128xf32, #tpu.memory_space<hbm>>
    %dma_start3A_122 = arith.constant 0 : i32
    %dma_start3A_123 = tpu.memref_slice %arg6[%add3A_114, %dma_start3A_122] : memref<320000x128xf32, #tpu.memory_space<hbm>> -> memref<80x128xf32, #tpu.memory_space<hbm>>
    %dma_start3A_124 = arith.constant 0 : i32
    %dma_start3A_125 = arith.constant 0 : i32
    %dma_start3A_126 = tpu.memref_slice %arg9[%dma_start3A_115, %dma_start3A_124, %dma_start3A_125] : memref<3x80x128xf32, #tpu.memory_space<vmem>> -> memref<1x80x128xf32, #tpu.memory_space<vmem>>
    %dma_start3A_127 = tpu.memref_squeeze %dma_start3A_126 : memref<1x80x128xf32, #tpu.memory_space<vmem>> -> memref<80x128xf32, #tpu.memory_space<vmem>>
    tpu.enqueue_dma source(%dma_start3A_127 : memref<80x128xf32, #tpu.memory_space<vmem>>) target(%dma_start3A_123 : memref<80x128xf32, #tpu.memory_space<hbm>>) target_semaphore(%arg15 : memref<!tpu.dma_semaphore, #tpu.memory_space<semaphore_mem>>)
    %dma_wait3A_128 = arith.constant 2 : i32
    %dma_wait3A_129 = arith.constant 0 : i32
    %dma_wait3A_130 = arith.constant 0 : i32
    %dma_wait3A_131 = tpu.memref_slice %arg9[%dma_wait3A_128, %dma_wait3A_129, %dma_wait3A_130] : memref<3x80x128xf32, #tpu.memory_space<vmem>> -> memref<1x80x128xf32, #tpu.memory_space<vmem>>
    %dma_wait3A_132 = tpu.memref_squeeze %dma_wait3A_131 : memref<1x80x128xf32, #tpu.memory_space<vmem>> -> memref<80x128xf32, #tpu.memory_space<vmem>>
    %dma_wait3A_133 = arith.constant 0 : i32
    %dma_wait3A_134 = tpu.memref_slice %arg6[%mul3A_2, %dma_wait3A_133] : memref<320000x128xf32, #tpu.memory_space<hbm>> -> memref<80x128xf32, #tpu.memory_space<hbm>>
    %dma_wait3A_135 = arith.constant 0 : i32
    %dma_wait3A_136 = tpu.memref_slice %arg6[%mul3A_2, %dma_wait3A_135] : memref<320000x128xf32, #tpu.memory_space<hbm>> -> memref<80x128xf32, #tpu.memory_space<hbm>>
    %dma_wait3A_137 = arith.constant 0 : i32
    %dma_wait3A_138 = arith.constant 0 : i32
    %dma_wait3A_139 = tpu.memref_slice %arg9[%dma_wait3A_128, %dma_wait3A_137, %dma_wait3A_138] : memref<3x80x128xf32, #tpu.memory_space<vmem>> -> memref<1x80x128xf32, #tpu.memory_space<vmem>>
    %dma_wait3A_140 = tpu.memref_squeeze %dma_wait3A_139 : memref<1x80x128xf32, #tpu.memory_space<vmem>> -> memref<80x128xf32, #tpu.memory_space<vmem>>
    tpu.wait_dma2 semaphore(%arg16 : memref<!tpu.dma_semaphore, #tpu.memory_space<semaphore_mem>>) src(%dma_wait3A_140 : memref<80x128xf32, #tpu.memory_space<vmem>>) dst(%dma_wait3A_136 : memref<80x128xf32, #tpu.memory_space<hbm>>)
    %dma_wait3A_141 = arith.constant 0 : i32
    %dma_wait3A_142 = arith.constant 0 : i32
    %dma_wait3A_143 = arith.constant 0 : i32
    %dma_wait3A_144 = tpu.memref_slice %arg9[%dma_wait3A_141, %dma_wait3A_142, %dma_wait3A_143] : memref<3x80x128xf32, #tpu.memory_space<vmem>> -> memref<1x80x128xf32, #tpu.memory_space<vmem>>
    %dma_wait3A_145 = tpu.memref_squeeze %dma_wait3A_144 : memref<1x80x128xf32, #tpu.memory_space<vmem>> -> memref<80x128xf32, #tpu.memory_space<vmem>>
    %dma_wait3A_146 = arith.constant 0 : i32
    %dma_wait3A_147 = tpu.memref_slice %arg6[%mul3A_2, %dma_wait3A_146] : memref<320000x128xf32, #tpu.memory_space<hbm>> -> memref<80x128xf32, #tpu.memory_space<hbm>>
    %dma_wait3A_148 = arith.constant 0 : i32
    %dma_wait3A_149 = tpu.memref_slice %arg6[%mul3A_2, %dma_wait3A_148] : memref<320000x128xf32, #tpu.memory_space<hbm>> -> memref<80x128xf32, #tpu.memory_space<hbm>>
    %dma_wait3A_150 = arith.constant 0 : i32
    %dma_wait3A_151 = arith.constant 0 : i32
    %dma_wait3A_152 = tpu.memref_slice %arg9[%dma_wait3A_141, %dma_wait3A_150, %dma_wait3A_151] : memref<3x80x128xf32, #tpu.memory_space<vmem>> -> memref<1x80x128xf32, #tpu.memory_space<vmem>>
    %dma_wait3A_153 = tpu.memref_squeeze %dma_wait3A_152 : memref<1x80x128xf32, #tpu.memory_space<vmem>> -> memref<80x128xf32, #tpu.memory_space<vmem>>
    tpu.wait_dma2 semaphore(%arg14 : memref<!tpu.dma_semaphore, #tpu.memory_space<semaphore_mem>>) src(%dma_wait3A_153 : memref<80x128xf32, #tpu.memory_space<vmem>>) dst(%dma_wait3A_149 : memref<80x128xf32, #tpu.memory_space<hbm>>)
    %dma_wait3A_154 = arith.constant 1 : i32
    %dma_wait3A_155 = arith.constant 0 : i32
    %dma_wait3A_156 = arith.constant 0 : i32
    %dma_wait3A_157 = tpu.memref_slice %arg9[%dma_wait3A_154, %dma_wait3A_155, %dma_wait3A_156] : memref<3x80x128xf32, #tpu.memory_space<vmem>> -> memref<1x80x128xf32, #tpu.memory_space<vmem>>
    %dma_wait3A_158 = tpu.memref_squeeze %dma_wait3A_157 : memref<1x80x128xf32, #tpu.memory_space<vmem>> -> memref<80x128xf32, #tpu.memory_space<vmem>>
    %dma_wait3A_159 = arith.constant 0 : i32
    %dma_wait3A_160 = tpu.memref_slice %arg6[%mul3A_2, %dma_wait3A_159] : memref<320000x128xf32, #tpu.memory_space<hbm>> -> memref<80x128xf32, #tpu.memory_space<hbm>>
    %dma_wait3A_161 = arith.constant 0 : i32
    %dma_wait3A_162 = tpu.memref_slice %arg6[%mul3A_2, %dma_wait3A_161] : memref<320000x128xf32, #tpu.memory_space<hbm>> -> memref<80x128xf32, #tpu.memory_space<hbm>>
    %dma_wait3A_163 = arith.constant 0 : i32
    %dma_wait3A_164 = arith.constant 0 : i32
    %dma_wait3A_165 = tpu.memref_slice %arg9[%dma_wait3A_154, %dma_wait3A_163, %dma_wait3A_164] : memref<3x80x128xf32, #tpu.memory_space<vmem>> -> memref<1x80x128xf32, #tpu.memory_space<vmem>>
    %dma_wait3A_166 = tpu.memref_squeeze %dma_wait3A_165 : memref<1x80x128xf32, #tpu.memory_space<vmem>> -> memref<80x128xf32, #tpu.memory_space<vmem>>
    tpu.wait_dma2 semaphore(%arg15 : memref<!tpu.dma_semaphore, #tpu.memory_space<semaphore_mem>>) src(%dma_wait3A_166 : memref<80x128xf32, #tpu.memory_space<vmem>>) dst(%dma_wait3A_162 : memref<80x128xf32, #tpu.memory_space<hbm>>)
    return
  }
}

module attributes {stable_mosaic.version = 14 : i64} {
  func.func @_tables_body(%arg0: memref<10000x128xf32, #tpu.memory_space<vmem>>, %arg1: memref<272x128xf32, #tpu.memory_space<vmem>>, %arg2: memref<10000x128xf32, #tpu.memory_space<vmem>>, %arg3: memref<10000x128xf32, #tpu.memory_space<vmem>>) attributes {dimension_semantics = [], scalar_prefetch = 0 : i64, scratch_operands = 0 : i64, tpu.core_type = #tpu.core_type<tc>} {
    %get3A = arith.constant 0 : index
    %get3A_0 = arith.constant 0 : index
    %get3A_1 = vector.load %arg0[%get3A, %get3A_0] : memref<10000x128xf32, #tpu.memory_space<vmem>>, vector<10000x128xf32>
    %get3A_2 = arith.constant 0 : index
    %get3A_3 = arith.constant 0 : index
    %get3A_4 = vector.load %arg1[%get3A_2, %get3A_3] : memref<272x128xf32, #tpu.memory_space<vmem>>, vector<128x128xf32>
    %dot_general3A = arith.constant dense<0.000000e+00> : vector<10000x128xf32>
    %dot_general3A_5 = tpu.matmul %get3A_1, %get3A_4, %dot_general3A {dimension_numbers = #tpu.dot_dimension_numbers<[1], [0], [0], [1], [0, 0, 1, 1], [], []>, transpose_lhs_hint = false} : vector<10000x128xf32>, vector<128x128xf32>, vector<10000x128xf32> -> vector<10000x128xf32>
    %swap3A = arith.constant 0 : index
    %swap3A_6 = arith.constant 0 : index
    %swap3A_7 = vector.load %arg2[%swap3A, %swap3A_6] : memref<10000x128xf32, #tpu.memory_space<vmem>>, vector<10000x128xf32>
    tpu.vector_store %arg2[%swap3A, %swap3A_6], %dot_general3A_5 {strides = array<i32>} : memref<10000x128xf32, #tpu.memory_space<vmem>>, vector<10000x128xf32>,
    %get3A_8 = arith.constant 128 : index
    %get3A_9 = arith.constant 0 : index
    %get3A_10 = vector.load %arg1[%get3A_8, %get3A_9] : memref<272x128xf32, #tpu.memory_space<vmem>>, vector<128x128xf32>
    %dot_general3A_11 = arith.constant dense<0.000000e+00> : vector<10000x128xf32>
    %dot_general3A_12 = tpu.matmul %get3A_1, %get3A_10, %dot_general3A_11 {dimension_numbers = #tpu.dot_dimension_numbers<[1], [0], [0], [1], [0, 0, 1, 1], [], []>, transpose_lhs_hint = false} : vector<10000x128xf32>, vector<128x128xf32>, vector<10000x128xf32> -> vector<10000x128xf32>
    %swap3A_13 = arith.constant 0 : index
    %swap3A_14 = arith.constant 0 : index
    %swap3A_15 = vector.load %arg3[%swap3A_13, %swap3A_14] : memref<10000x128xf32, #tpu.memory_space<vmem>>, vector<10000x128xf32>
    tpu.vector_store %arg3[%swap3A_13, %swap3A_14], %dot_general3A_12 {strides = array<i32>} : memref<10000x128xf32, #tpu.memory_space<vmem>>, vector<10000x128xf32>,
    return
  }
}

module attributes {stable_mosaic.version = 14 : i64} {
  func.func @_finish_body(%arg0: i32, %arg1: memref<12800x128xf32, #tpu.memory_space<vmem>>, %arg2: memref<16x12800xf32, #tpu.memory_space<vmem>>, %arg3: memref<16x128xf32, #tpu.memory_space<vmem>>, %arg4: memref<1x128xf32, #tpu.memory_space<vmem>>, %arg5: memref<12800x128xf32, #tpu.memory_space<vmem>>) attributes {dimension_semantics = [#tpu.dimension_semantics<arbitrary>], iteration_bounds = array<i64: 25>, scalar_prefetch = 0 : i64, scratch_operands = 0 : i64, tpu.core_type = #tpu.core_type<tc>, window_params = [{transform_indices = @transform_0, window_bounds = array<i64: 12800, 128>}, {transform_indices = @transform_1, window_bounds = array<i64: 16, 12800>}, {pipeline_mode = #tpu.pipeline_mode<synchronous>, transform_indices = @transform_2, window_bounds = array<i64: 16, 128>}, {pipeline_mode = #tpu.pipeline_mode<synchronous>, transform_indices = @transform_3, window_bounds = array<i64: 1, 128>}, {transform_indices = @transform_4, window_bounds = array<i64: 12800, 128>}]} {
    %get3A = arith.constant 0 : index
    %get3A_0 = arith.constant 0 : index
    %get3A_1 = vector.load %arg2[%get3A, %get3A_0] : memref<16x12800xf32, #tpu.memory_space<vmem>>, vector<16x12800xf32>
    %get3A_2 = arith.constant 0 : index
    %get3A_3 = arith.constant 0 : index
    %get3A_4 = vector.load %arg3[%get3A_2, %get3A_3] : memref<16x128xf32, #tpu.memory_space<vmem>>, vector<16x128xf32>
    %dot_general3A = arith.constant dense<0.000000e+00> : vector<12800x128xf32>
    %dot_general3A_5 = tpu.matmul %get3A_1, %get3A_4, %dot_general3A {dimension_numbers = #tpu.dot_dimension_numbers<[0], [0], [1], [1], [0, 1, 1, 1], [], []>, transpose_lhs_hint = false} : vector<16x12800xf32>, vector<16x128xf32>, vector<12800x128xf32> -> vector<12800x128xf32>
    %get3A_6 = arith.constant 0 : index
    %get3A_7 = arith.constant 0 : index
    %get3A_8 = vector.load %arg1[%get3A_6, %get3A_7] : memref<12800x128xf32, #tpu.memory_space<vmem>>, vector<12800x128xf32>
    %add3A = arith.addf %get3A_8, %dot_general3A_5 : vector<12800x128xf32>
    %get3A_9 = arith.constant 0 : index
    %get3A_10 = arith.constant 0 : index
    %get3A_11 = vector.load %arg4[%get3A_9, %get3A_10] : memref<1x128xf32, #tpu.memory_space<vmem>>, vector<1x128xf32>
    %add3A_12 = vector.broadcast %get3A_11 : vector<1x128xf32> to vector<12800x128xf32>
    %add3A_13 = arith.addf %add3A, %add3A_12 : vector<12800x128xf32>
    %swap3A = arith.constant 0 : index
    %swap3A_14 = arith.constant 0 : index
    %swap3A_15 = vector.load %arg5[%swap3A, %swap3A_14] : memref<12800x128xf32, #tpu.memory_space<vmem>>, vector<12800x128xf32>
    tpu.vector_store %arg5[%swap3A, %swap3A_14], %add3A_13 {strides = array<i32>} : memref<12800x128xf32, #tpu.memory_space<vmem>>, vector<12800x128xf32>,
    return
  }
  func.func @transform_0(%arg0: i32) -> (i32, i32) {
    %c0_i32 = arith.constant 0 : i32
    %c0_i32_0 = arith.constant 0 : i32
    return %arg0, %c0_i32 : i32, i32
  }
  func.func @transform_1(%arg0: i32) -> (i32, i32) {
    %c0_i32 = arith.constant 0 : i32
    %c0_i32_0 = arith.constant 0 : i32
    return %c0_i32, %arg0 : i32, i32
  }
  func.func @transform_2(%arg0: i32) -> (i32, i32) {
    %c0_i32 = arith.constant 0 : i32
    %c0_i32_0 = arith.constant 0 : i32
    %c0_i32_1 = arith.constant 0 : i32
    return %c0_i32, %c0_i32_0 : i32, i32
  }
  func.func @transform_3(%arg0: i32) -> (i32, i32) {
    %c0_i32 = arith.constant 0 : i32
    %c0_i32_0 = arith.constant 0 : i32
    %c0_i32_1 = arith.constant 0 : i32
    return %c0_i32, %c0_i32_0 : i32, i32
  }
  func.func @transform_4(%arg0: i32) -> (i32, i32) {
    %c0_i32 = arith.constant 0 : i32
    %c0_i32_0 = arith.constant 0 : i32
    return %arg0, %c0_i32 : i32, i32
  }
}

</mosaic_0001>

<sc_bundles>
// kernel: kernel.5.cloned.1.call-start
scs
__scs_entry_jumppad:
0x0: {  	(pc) =	sbr.rel $0x88, $3  }
0x1: {  	(tag) =	ssettag $0x0;
	lr =	simm.s32 $0x1  }
0x2: {  	[smem:$0x3F9C] =	sst lr;
	_ =	strace $0xD0000000  }
0x3: {  	_ = 	snop  }
0x4: {  	_ = 	snop  }
0x5: {  	_ = 	snop  }
0x6: {  	_ = 	snop  }
0x7: {  	_ = 	snop  }
__scs_overlays_trampoline_lowered:
0x8: {  	[smem:$0x3FAB] =	sst s0  }
0x9: {  	[smem:$0x3FAC] =	sst s1  }
0xa: {  	[smem:$0x3FAD] =	sst s2  }
0xb: {  	[smem:$0x3FAE] =	sst s3  }
0xc: {  	[smem:$0x3FAF] =	sst s4  }
0xd: {  	[smem:$0x3FB0] =	sst s5  }
0xe: {  	[smem:$0x3FB1] =	sst s6  }
0xf: {  	[smem:$0x3FB2] =	sst s7  }
0x10: {  	[smem:$0x3FB3] =	sst s8  }
0x11: {  	[smem:$0x3FB4] =	sst s9;
	s0 =	simm.s32 @!p0 $0x0  }
0x12: {  	s1 =	sld [smem:$0x3F9A];
	s0 =	simm.s32 @p0 $0x1  }
0x13: {  	[smem:$0x3FB5] =	sst s0;
	s0 =	simm.s32 @!p1 $0x0  }
0x14: {  	s2 =	sld [smem:$0x3F99];
	s0 =	simm.s32 @p1 $0x1  }
0x15: {  	[smem:$0x3FB6] =	sst s0;
	s0 =	simm.s32 @!p2 $0x0  }
0x16: {  	s3 =	sld [smem:$0x3FDB];
	s0 =	simm.s32 @p2 $0x1  }
0x17: {  	s4 =	simm.s32 $0x1BF5;
	[smem:$0x3FB8] =	sst s0  }
0x18: {  	s0 =	sld [smem:$0x3F9B];
	_ =	swait.ge [sflag:s4], $0x0  }
0x19: {  	s7 =	sld [smem:$0x3F9C]  }
0x1a: {  	s8 =	sadd.s32 $0xFFFFE003, lr  }
0x1b: {  	s9 =	sadd.s32 $0xFFFFFEF7, lr;
	s5 =	simm.s32 $0xFFFFFFFF;
	p2 =	slt.u32 s8, $0xFFFFF086  }
0x1c: {  	p1 =	slt.u32 s9, $0xF7A;
	s5 =	simm.s32 @!p2 $0x0  }
0x1d: {  	s5 =	simm.s32 @p1 $0x1;
	p0 =	seq.s32 s7, s2  }
0x1e: {  	s7 =	smul.u32 @!p0 $0xF7A, s2;
	p2 =	seq.s32 @!p0 s5, $0x0  }
0x1f: {  	s9 =	smul.u32 $0xF7A, s1;
	s8 =	simm.s32 @!p0 $0x1BF5;
	p2 =	por !p2, p0  }
0x20: {  	[sflag:s8] =	ssyncset.s32 @!p0 $0xFFFFF086;
	s6 =	sadd.s32 @!p0 s3, s7;
	s7 =	simm.s32 @!p0 $0x108  }
0x21: {  	s3 =	sadd.s32 s3, s9;
	s6 =	sadd.s32 @!p0 $0x88, s6;
	s7 =	simm.s32 @p2 $0x1082  }
0x22: {  	[simem:s7], [sflag:s8] =	dma.local @!p0 [hbm:s6], $0xF7A  }
0x23: {  	s9 =	sor.u32 $0xD0000000, s2;
	s6 =	simm.s32 $0x108;
	_ =	swait.ge @!p0 [sflag:s8], $0x0  }
0x24: {  	s3 =	sadd.s32 $0x88, s3;
	s6 =	simm.s32 @!p1 $0x1082;
	[sflag:s4] =	ssyncset.s32 $0xFFFFF086  }
0x25: {  	[simem:s6], [sflag:s4] =	dma.local [hbm:s3], $0xF7A  }
0x26: {  	[smem:$0x3F9C] =	sst s1;
	(tag) =	ssettag s2;
	_ =	strace s9  }
0x27: {  	s1 =	sld [smem:$0x3FAC]  }
0x28: {  	s2 =	sld [smem:$0x3FAD]  }
0x29: {  	s4 =	sld [smem:$0x3FAF]  }
0x2a: {  	p0 =	seq.s32 s5, $0x0;
	s5 =	sld [smem:$0x3FB0]  }
0x2b: {  	s6 =	sld [smem:$0x3FB1]  }
0x2c: {  	s7 =	sld [smem:$0x3FB2]  }
0x2d: {  	s3 =	simm.s32 $0x108;
	s8 =	sld [smem:$0x3FB3]  }
0x2e: {  	s3 =	simm.s32 @!p0 $0x1082;
	s9 =	sld [smem:$0x3FB4]  }
0x2f: {  	lr =	sadd.s32 s0, s3;
	s0 =	sld [smem:$0x3FAB]  }
0x30: {  	s3 =	sld [smem:$0x3FAE]  }
0x31: {  	[smem:$0x3FB7] =	sst s10  }
0x32: {  	s10 =	sld [smem:$0x3FB5];
	_ =	sdelay $0x3  }
0x33: {  	p0 =	seq.s32 s10, $0x1;
	s10 =	sld [smem:$0x3FB7];
	_ =	sdelay $0x3  }
0x34: {  	[smem:$0x3FB7] =	sst s10  }
0x35: {  	s10 =	sld [smem:$0x3FB6];
	_ =	sdelay $0x3  }
0x36: {  	p1 =	seq.s32 s10, $0x1;
	s10 =	sld [smem:$0x3FB7];
	_ =	sdelay $0x3  }
0x37: {  	[smem:$0x3FB7] =	sst s10  }
0x38: {  	s10 =	sld [smem:$0x3FB8]  }
0x39: {  	_ = 	snop;
	(pc) =	sbr.ind lr, $3  }
0x3a: {  	_ = 	snop  }
0x3b: {  	_ = 	snop  }
0x3c: {  	p2 =	seq.s32 s10, $0x1;
	s10 =	sld [smem:$0x3FB7]  }
0x3d: {  	_ =	shalt  }
0x3e: {  	_ =	shalt  }
0x3f: {  	_ =	shalt  }
0x40: {  	_ =	shalt  }
0x41: {  	_ =	shalt  }
0x42: {  	_ =	shalt  }
0x43: {  	_ =	shalt  }
0x44: {  	_ =	shalt  }
0x45: {  	_ =	shalt  }
0x46: {  	_ =	shalt  }
0x47: {  	_ =	shalt  }
0x48: {  	_ =	shalt  }
0x49: {  	_ =	shalt  }
0x4a: {  	_ =	shalt  }
0x4b: {  	_ =	shalt  }
0x4c: {  	_ =	shalt  }
0x4d: {  	_ =	shalt  }
0x4e: {  	_ =	shalt  }
0x4f: {  	_ =	shalt  }
0x50: {  	_ =	shalt  }
0x51: {  	_ =	shalt  }
0x52: {  	_ =	shalt  }
0x53: {  	_ =	shalt  }
0x54: {  	_ =	shalt  }
0x55: {  	_ =	shalt  }
0x56: {  	_ =	shalt  }
0x57: {  	_ =	shalt  }
0x58: {  	_ =	shalt  }
0x59: {  	_ =	shalt  }
0x5a: {  	_ =	shalt  }
0x5b: {  	_ =	shalt  }
0x5c: {  	_ =	shalt  }
0x5d: {  	_ =	shalt  }
0x5e: {  	_ =	shalt  }
0x5f: {  	_ =	shalt  }
0x60: {  	_ =	shalt  }
0x61: {  	_ =	shalt  }
0x62: {  	_ =	shalt  }
0x63: {  	_ =	shalt  }
0x64: {  	_ =	shalt  }
0x65: {  	_ =	shalt  }
0x66: {  	_ =	shalt  }
0x67: {  	_ =	shalt  }
0x68: {  	_ =	shalt  }
0x69: {  	_ =	shalt  }
0x6a: {  	_ =	shalt  }
0x6b: {  	_ =	shalt  }
0x6c: {  	_ =	shalt  }
0x6d: {  	_ =	shalt  }
0x6e: {  	_ =	shalt  }
0x6f: {  	_ =	shalt  }
0x70: {  	_ =	shalt  }
0x71: {  	_ =	shalt  }
0x72: {  	_ =	shalt  }
0x73: {  	_ =	shalt  }
0x74: {  	_ =	shalt  }
0x75: {  	_ =	shalt  }
0x76: {  	_ =	shalt  }
0x77: {  	_ =	shalt  }
0x78: {  	_ =	shalt  }
0x79: {  	_ =	shalt  }
0x7a: {  	_ =	shalt  }
0x7b: {  	_ =	shalt  }
0x7c: {  	_ =	shalt  }
0x7d: {  	_ =	shalt  }
0x7e: {  	_ =	shalt  }
0x7f: {  	_ =	shalt  }
0x80: {  	_ =	shalt  }
0x81: {  	_ =	shalt  }
0x82: {  	_ =	shalt  }
0x83: {  	_ =	shalt  }
0x84: {  	_ =	shalt  }
0x85: {  	_ =	shalt  }
0x86: {  	_ =	shalt  }
0x87: {  	_ =	shalt  }
.Lfunc_end0:
.L_simem_size_0:
called_computation_lowered:
.L_overlay_start_0:
0x88: {  	s2 =	sld [smem:$0x3FD9]  }
0x89: {  	s3 =	sld [smem:$0x3FFE];
	_ =	sdelay $0x1  }
0x8a: {  	s1 =	srdreg.scid  }
0x8b: {  	s0 =	sand.u32 $0x1, s1  }
0x8c: {  	s17 =	sshll.u32 s0, $0xA;
	s2 =	sadd.s32 s3, s2  }
0x8d: {  	s2 =	sadd.s32 s2, s17  }
0x8e: {  	[smem:$0x3FC3] =	sst s2  }
0x8f: {  	_ = 	snop  }
0x90: {  	s2 =	sld [smem:$0x3FD0];
	(tm) =	ssettm $0x1  }
0x91: {  	s18 =	sld [smem:$0x3FFB];
	_ =	sdelay $0x3  }
0x92: {  	_ =	strace s18  }
0x93: {  	s3 =	sld [smem:$0x3FFC];
	_ =	sdelay $0x3  }
0x94: {  	_ =	strace s3  }
0x95: {  	s3 =	sld [smem:$0x3FFD];
	_ =	sdelay $0x3  }
0x96: {  	_ =	strace s3  }
0x97: {  	_ =	strace $0x8FFFFFFF  }
0x98: {  	s19 =	sld [smem:$0x3FDB];
	_ =	sdelay $0x1  }
0x99: {  	s4 =	simm.s32 $_scs_section_size  }
0x9a: {  	s5 =	simm.s32 $_size__tile_overlayer_lowered;
	s6 =	simm.s32 $_tile_overlayer_lowered  }
0x9b: {  	s22 =	simm.s32 $0x1BFF;
	s21 =	sshll.u32 s6, $0x1;
	s3 =	sadd.s32 s4, s19  }
0x9c: {  	s7 =	simm.s32 $0x0;
	s20 =	sshll.u32 s5, $0x1;
	s5 =	sadd.s32 s21, s3  }
0x9d: {  	[timem:s7], [sflag:s22] =	dma.local [hbm:s5], s20  }
0x9e: {  	_ =	swait.ge [sflag:s22], s20  }
0x9f: {  	s4 =	ssub.s32 $0x0, s20;
	[sflag:s22] =	ssyncset.done $0x0  }
0xa0: {  	[sflag:s22] =	ssyncadd.s32 s4;
	_ =	sdelay $0x1  }
0xa1: {  	s23 =	simm.s32 $0x1B8B  }
0xa2: {  	_ =	swait.ge [sflag:s23], $0x1  }
0xa3: {  	[sflag:s23] =	ssyncset.done $0x0  }
0xa4: {  	s25 =	simm.s32 $0x1B8E;
	s24 =	sld [smem:$0x3FFE];
	[sflag:s23] =	ssyncadd.s32 $0xFFFFFFFF  }
0xa5: {  	s26 =	simm.s32 $execute0_lowered;
	[smem:$0x3FD2] =	sst s25  }
0xa6: {  	s5 =	sshll.u32 s26, $0x1;
	_ =	strace $0x80000046;
	[dreg:$0x1] =	wrdreg $0xFFFFFFFF  }
0xa7: {  	s28 =	simm.s32 $_size_execute0_lowered;
	s3 =	sadd.s32 s3, s5;
	[dreg:$0x0] =	wrdreg $0x0  }
0xa8: {  	s5 =	sshll.u32 s28, $0x1;
	[dreg:$0x2] =	wrdreg s3  }
0xa9: {  	[dreg:$0x3] =	wrdreg s5  }
0xaa: {  	[dreg:$0x4] =	wrdreg $0xC0  }
0xab: {  	_ =	task [dreg:s7], $0x5FFFF  }
0xac: {  	[dreg:$0x1] =	wrdreg $0xFFFFFFFF  }
0xad: {  	[dreg:$0x0] =	wrdreg $0x60  }
0xae: {  	[dreg:$0x2] =	wrdreg s2  }
0xaf: {  	[dreg:$0x3] =	wrdreg s24  }
0xb0: {  	[dreg:$0x4] =	wrdreg $0x9  }
0xb1: {  	_ =	task.clear_ibuf [dreg:s7], $0x5FFFF;
	_ =	strace $0x90000046  }
0xb2: {  	s29 =	simm.s32 $0x9;
	_ =	strace $0x80000048  }
0xb3: {  	_ =	swait.ge [sflag:s29], $0x1  }
0xb4: {  	[sflag:s29] =	ssyncadd.s32 $0xFFFFFFFF  }
0xb5: {  	_ =	strace $0x90000048  }
0xb6: {  	_ =	sfence  }
0xb7: {  	s30 =	sld [smem:$0x0];
	_ =	sdelay $0x2  }
0xb8: {  	s31 =	sshll.u32 s1, $0xD;
	s1 =	sshrl.u32 s1, $0x2  }
0xb9: {  	s3 =	sand.u32 $0x4000, s31;
	s1 =	sadd.s32 s1, s30  }
0xba: {  	s0 =	sor.u32 s3, s0;
	s1 =	sshll.u32 s1, $0x11  }
0xbb: {  	s0 =	sor.u32 s1, s0  }
0xbc: {  	s0 =	sadd.s32 $0x8F2B, s0  }
0xbd: {  	[sflag:s0] =	ssyncadd.remote.s32 $0x1  }
0xbe: {  	_ =	sfence.sel $0xFFFF  }
0xbf: {  	[dreg:$0x0] =	wrdreg $0xFFFFFFFF;
	(pc) =	sbr.abs _section_cstart, $3  }
0xc0: {  	[dreg:$0x1] =	wrdreg $0xFFFFFFFF  }
0xc1: {  	_ =	task.clear_ibuf [dreg:s7], $0x2FFFF;
	_ =	strace $0x9FFFFFFF  }
0xc2: {  	(tm) =	ssettm $0x7FFFFFFF  }
0xc3: {  	_ =	shalt  }
tec
execute0_lowered:
.L_overlay_start_1:
0x0: {  	(tag) =	ssettag $0x1  }
0x1: {  	s2 =	rddreg [dreg:$0x0];
	s0 =	srdreg.scid  }
0x2: {  	s3 =	stileid.u32;
	s1 =	rddreg [dreg:$0x1];
	s13 =	simm.s32 $0x7  }
0x3: {  	s14 =	simm.s32 $0x2780;
	s15 =	simm.s32 $0x50;
	s16 =	simm.s32 $0x4F00  }
0x4: {  	s17 =	simm.s32 $0xC700;
	s18 =	simm.s32 $0x7700;
	s20 =	simm.s32 $0xEF00  }
0x5: {  	s21 =	simm.s32 $0x9F00;
	s22 =	simm.s32 $0x11700;
	s23 =	simm.s32 $0x1  }
0x6: {  	s24 =	simm.s32 $0x4;
	s25 =	simm.s32 $0x2;
	s28 =	simm.s32 $0x3  }
0x7: {  	s29 =	simm.s32 $0x6;
	s0 =	sand.u32 $0x1, s0;
	s4 =	sshll.u32 s3, $0x1  }
0x8: {  	s30 =	simm.s32 $0x0;
	s3 =	simm.s32 $0x0;
	s5 =	sor.u32 s0, s4  }
0x9: {  	[smem:$0x7FF] =	sst s3;
	s0 =	ssub.s32 $0x2, s0;
	s4 =	smul.u32 $0x2710, s5  }
0xa: {  	_ =	strace $0x80000047;
	s7 =	smul.u32 $0x138800, s5;
	s9 =	sshrl.u32 s0, $0x1  }
0xb: {  	s5 =	sadd.s32 $0x14600, s1;
	s0 =	ssub.s32 s0, s9;
	s6 =	sshrl.u32 s4, $0x3  }
0xc: {  	s26 =	sshrl.u32 s7, $0x3;
	s9 =	sadd.s32 $0x50, s4;
	s8 =	sadd.s32 s6, s1  }
0xd: {  	s12 =	smax.u32 s0, $0x1;
	s6 =	sadd.s32 $0x3B800, s1;
	s31 =	sadd.s32 $0xA800, s8  }
0xe: {  	s8 =	sadd.s32 $0xA00, s8;
	s1 =	sadd.s32 s6, s26;
	s26 =	simm.s32 $0x5  }
0xf: {  	[dreg:$0x3] =	wrdreg s31;
	s10 =	sadd.s32 $0x26700, s1;
	s11 =	sadd.s32 $0x26C00, s1  }
.LBB2_1:
0x10: {  	s0 =	rddreg [dreg:$0x3]  }
0x11: {  	[tilespmem:s3], [sflag:$0x7] =	stream.linear.gather [hbm4b:s0+s3], $0x2710, $0x38;
	[tilespmem:$0x13F00] =	vst v63  }
0x12: {  	_ =	swait.ge [sflag:s13], $0x2710  }
0x13: {  	[sflag:s13] =	ssyncset.done $0x0  }
0x14: {  	[sflag:s13] =	ssyncadd.s32 $0xFFFFD8F0  }
0x15: {  	[tilespmem:s14], [sflag:$0x7] =	stream.linear.gather [hbm4b:s8+s3], $0x2710, $0x38;
	[tilespmem:$0x13F00] =	vst v63  }
0x16: {  	_ =	swait.ge [sflag:s13], $0x2710  }
0x17: {  	[sflag:s13] =	ssyncset.done $0x0  }
0x18: {  	[sflag:s13] =	ssyncadd.s32 $0xFFFFD8F0  }
0x19: {  	[tilespmem:s16], [sflag:$0x1] =	stream.indirect.gather [hbm4b:s2+s15], $0x80, s3, s15, $0xb8;
	[tilespmem:$0x13F00] =	vst v63  }
0x1a: {  	_ = 	snop  }
0x1b: {  	[tilespmem:s17], [sflag:$0x1] =	stream.indirect.gather [hbm4b:s5+s15], $0x80, s14, s15, $0xb8;
	[tilespmem:$0x13F00] =	vst v63  }
0x1c: {  	_ = 	snop  }
0x1d: {  	[tilespmem:s18], [sflag:$0x2] =	stream.indirect.gather [hbm4b:s2+s15], $0x80, s15, s15, $0xb8;
	[tilespmem:$0x13F00] =	vst v63  }
0x1e: {  	s19 =	simm.s32 $0x27D0;
	s31 =	simm.s32 $0x0  }
0x1f: {  	[tilespmem:s20], [sflag:$0x2] =	stream.indirect.gather [hbm4b:s5+s15], $0x80, s19, s15, $0xb8;
	[tilespmem:$0x13F00] =	vst v63  }
.LBB2_2:
0x20: {  	p0 =	seq.s32 s31, $0x0  }
0x21: {  	s1 =	simm.s32 @!p0 $0x6  }
0x22: {  	s0 =	smul.u32 $0xF0, s31;
	_ =	swait.ge @!p0 [sflag:s1], $0x2800  }
0x23: {  	[sflag:s1] =	ssyncset.done @!p0 $0x0  }
0x24: {  	[sflag:s1] =	ssyncadd.s32 @!p0 $0xFFFFD800;
	s1 =	sadd.s32 $0xA0, s0  }
0x25: {  	[tilespmem:s21], [sflag:$0x3] =	stream.indirect.gather [hbm4b:s2+s15], $0x80, s1, s15, $0xb8;
	[tilespmem:$0x13F00] =	vst v63  }
0x26: {  	s7 =	sadd.s32 $0x2820, s0  }
0x27: {  	[tilespmem:s22], [sflag:$0x3] =	stream.indirect.gather [hbm4b:s5+s15], $0x80, s7, s15, $0xb8;
	[tilespmem:$0x13F00] =	vst v63  }
0x28: {  	_ =	swait.ge [sflag:s23], $0x2800  }
0x29: {  	[sflag:s23] =	ssyncset.done $0x0  }
0x2a: {  	[sflag:s23] =	ssyncadd.s32 $0xFFFFD800  }
0x2b: {  	_ =	swait.ge [sflag:s23], $0x2800  }
0x2c: {  	[sflag:s23] =	ssyncset.done $0x0  }
0x2d: {  	s19 =	simm.s32 $0x0;
	s7 =	simm.s32 $0x200;
	[sflag:s23] =	ssyncadd.s32 $0xFFFFD800  }
.LBB2_3:
0x2e: {  	p0 =	sne.s32 s7, $0x9E00;
	v0 =	vld [tilespmem:s19+$0xC770]  }
0x2f: {  	v1 =	vld [tilespmem:s19+$0xC700]  }
0x30: {  	v2 =	vld [tilespmem:s19+$0xC710]  }
0x31: {  	v3 =	vld [tilespmem:s19+$0xC720]  }
0x32: {  	v4 =	vld [tilespmem:s19+$0xC730]  }
0x33: {  	[tilespmem:s19+$0x4F70] =	vst.add.f32.msk $0xffff, v0  }
0x34: {  	v0 =	vld [tilespmem:s19+$0xC740]  }
0x35: {  	v5 =	vld [tilespmem:s19+$0xC750]  }
0x36: {  	v6 =	vld [tilespmem:s19+$0xC760]  }
0x37: {  	[tilespmem:s19+$0x4F00] =	vst.add.f32.msk $0xffff, v1  }
0x38: {  	[tilespmem:s19+$0x4F10] =	vst.add.f32.msk $0xffff, v2  }
.Ltmp0:
0x39: {  	[tilespmem:s19+$0x4F20] =	vst.add.f32.msk $0xffff, v3;
	(pc) =	sbr.rel @p0 .LBB2_3-.Ltmp0, $4  }
0x3a: {  	[tilespmem:s19+$0x4F30] =	vst.add.f32.msk $0xffff, v4  }
0x3b: {  	[tilespmem:s19+$0x4F40] =	vst.add.f32.msk $0xffff, v0  }
0x3c: {  	[tilespmem:s19+$0x4F50] =	vst.add.f32.msk $0xffff, v5  }
0x3d: {  	[tilespmem:s19+$0x4F60] =	vst.add.f32.msk $0xffff, v6;
	s19 =	sshra.s32 s7, $0x2;
	s7 =	sadd.s32 $0x200, s7  }
0x3e: {  	v0 =	vld [tilespmem:s19+$0xC770]  }
0x3f: {  	v1 =	vld [tilespmem:s19+$0xC700]  }
0x40: {  	v2 =	vld [tilespmem:s19+$0xC710]  }
0x41: {  	v3 =	vld [tilespmem:s19+$0xC720]  }
0x42: {  	v4 =	vld [tilespmem:s19+$0xC730]  }
0x43: {  	v63 =	vld [tilespmem:s19+$0xC740]  }
0x44: {  	v5 =	vld [tilespmem:s19+$0xC750]  }
0x45: {  	v6 =	vld [tilespmem:s19+$0xC760]  }
0x46: {  	[tilespmem:s19+$0x4F70] =	vst.add.f32.msk $0xffff, v0  }
0x47: {  	[tilespmem:s19+$0x4F00] =	vst.add.f32.msk $0xffff, v1  }
0x48: {  	[tilespmem:s19+$0x4F10] =	vst.add.f32.msk $0xffff, v2  }
0x49: {  	[tilespmem:s19+$0x4F20] =	vst.add.f32.msk $0xffff, v3  }
0x4a: {  	[tilespmem:s19+$0x4F30] =	vst.add.f32.msk $0xffff, v4  }
0x4b: {  	s7 =	sadd.s32 s4, s0;
	[tilespmem:s19+$0x4F40] =	vst.add.f32.msk $0xffff, v63  }
0x4c: {  	s7 =	sshll.u32 s7, $0x4;
	[tilespmem:s19+$0x4F50] =	vst.add.f32.msk $0xffff, v5  }
0x4d: {  	s7 =	sadd.s32 s6, s7;
	[tilespmem:s19+$0x4F60] =	vst.add.f32.msk $0xffff, v6;
	s19 =	simm.s32 $0x0  }
0x4e: {  	[hbm4b:s7+s19] =	stream.linear.scatter [tilespmem:s16], [sflag:$0x4], $0x2800, $0x38;
	[tilespmem:$0x13F00] =	vst v63  }
0x4f: {  	_ =	swait.ge [sflag:s24], $0x2800  }
0x50: {  	[sflag:s24] =	ssyncset.done $0x0  }
0x51: {  	s19 =	sadd.s32 $0xF0, s0;
	[sflag:s24] =	ssyncadd.s32 $0xFFFFD800  }
0x52: {  	[tilespmem:s16], [sflag:$0x1] =	stream.indirect.gather [hbm4b:s2+s15], $0x80, s19, s15, $0xb8;
	[tilespmem:$0x13F00] =	vst v63  }
0x53: {  	s19 =	sadd.s32 $0x2870, s0  }
0x54: {  	[tilespmem:s17], [sflag:$0x1] =	stream.indirect.gather [hbm4b:s5+s15], $0x80, s19, s15, $0xb8;
	[tilespmem:$0x13F00] =	vst v63  }
0x55: {  	_ =	swait.ge [sflag:s25], $0x2800  }
0x56: {  	[sflag:s25] =	ssyncset.done $0x0  }
0x57: {  	[sflag:s25] =	ssyncadd.s32 $0xFFFFD800  }
0x58: {  	_ =	swait.ge [sflag:s25], $0x2800  }
0x59: {  	[sflag:s25] =	ssyncset.done $0x0  }
0x5a: {  	s7 =	simm.s32 $0x200;
	s19 =	simm.s32 $0x0;
	[sflag:s25] =	ssyncadd.s32 $0xFFFFD800  }
.LBB2_5:
0x5b: {  	p0 =	sne.s32 s7, $0x9E00;
	v0 =	vld [tilespmem:s19+$0xEF70]  }
0x5c: {  	v1 =	vld [tilespmem:s19+$0xEF00]  }
0x5d: {  	v2 =	vld [tilespmem:s19+$0xEF10]  }
0x5e: {  	v3 =	vld [tilespmem:s19+$0xEF20]  }
0x5f: {  	v4 =	vld [tilespmem:s19+$0xEF30]  }
0x60: {  	[tilespmem:s19+$0x7770] =	vst.add.f32.msk $0xffff, v0  }
0x61: {  	v0 =	vld [tilespmem:s19+$0xEF40]  }
0x62: {  	v5 =	vld [tilespmem:s19+$0xEF50]  }
0x63: {  	v6 =	vld [tilespmem:s19+$0xEF60]  }
0x64: {  	[tilespmem:s19+$0x7700] =	vst.add.f32.msk $0xffff, v1  }
0x65: {  	[tilespmem:s19+$0x7710] =	vst.add.f32.msk $0xffff, v2  }
.Ltmp1:
0x66: {  	[tilespmem:s19+$0x7720] =	vst.add.f32.msk $0xffff, v3;
	(pc) =	sbr.rel @p0 .LBB2_5-.Ltmp1, $4  }
0x67: {  	[tilespmem:s19+$0x7730] =	vst.add.f32.msk $0xffff, v4  }
0x68: {  	[tilespmem:s19+$0x7740] =	vst.add.f32.msk $0xffff, v0  }
0x69: {  	[tilespmem:s19+$0x7750] =	vst.add.f32.msk $0xffff, v5  }
0x6a: {  	[tilespmem:s19+$0x7760] =	vst.add.f32.msk $0xffff, v6;
	s19 =	sshra.s32 s7, $0x2;
	s7 =	sadd.s32 $0x200, s7  }
0x6b: {  	v0 =	vld [tilespmem:s19+$0xEF70]  }
0x6c: {  	v1 =	vld [tilespmem:s19+$0xEF00]  }
0x6d: {  	v2 =	vld [tilespmem:s19+$0xEF10]  }
0x6e: {  	v3 =	vld [tilespmem:s19+$0xEF20]  }
0x6f: {  	v4 =	vld [tilespmem:s19+$0xEF30]  }
0x70: {  	v63 =	vld [tilespmem:s19+$0xEF40]  }
0x71: {  	v5 =	vld [tilespmem:s19+$0xEF50]  }
0x72: {  	v6 =	vld [tilespmem:s19+$0xEF60]  }
0x73: {  	[tilespmem:s19+$0x7770] =	vst.add.f32.msk $0xffff, v0  }
0x74: {  	[tilespmem:s19+$0x7700] =	vst.add.f32.msk $0xffff, v1  }
0x75: {  	[tilespmem:s19+$0x7710] =	vst.add.f32.msk $0xffff, v2  }
0x76: {  	[tilespmem:s19+$0x7720] =	vst.add.f32.msk $0xffff, v3  }
0x77: {  	[tilespmem:s19+$0x7730] =	vst.add.f32.msk $0xffff, v4  }
0x78: {  	s7 =	sadd.s32 s0, s9;
	[tilespmem:s19+$0x7740] =	vst.add.f32.msk $0xffff, v63  }
0x79: {  	s7 =	sshll.u32 s7, $0x4;
	[tilespmem:s19+$0x7750] =	vst.add.f32.msk $0xffff, v5  }
0x7a: {  	s7 =	sadd.s32 s6, s7;
	[tilespmem:s19+$0x7760] =	vst.add.f32.msk $0xffff, v6;
	s19 =	simm.s32 $0x0  }
0x7b: {  	[hbm4b:s7+s19] =	stream.linear.scatter [tilespmem:s18], [sflag:$0x5], $0x2800, $0x38;
	[tilespmem:$0x13F00] =	vst v63  }
0x7c: {  	_ =	swait.ge [sflag:s26], $0x2800  }
0x7d: {  	[sflag:s26] =	ssyncset.done $0x0  }
0x7e: {  	s19 =	sadd.s32 $0x140, s0;
	[sflag:s26] =	ssyncadd.s32 $0xFFFFD800  }
0x7f: {  	[tilespmem:s18], [sflag:$0x2] =	stream.indirect.gather [hbm4b:s2+s15], $0x80, s19, s15, $0xb8;
	[tilespmem:$0x13F00] =	vst v63  }
0x80: {  	s19 =	sadd.s32 $0x28C0, s0  }
0x81: {  	[tilespmem:s20], [sflag:$0x2] =	stream.indirect.gather [hbm4b:s5+s15], $0x80, s19, s15, $0xb8;
	[tilespmem:$0x13F00] =	vst v63  }
0x82: {  	_ =	swait.ge [sflag:s28], $0x2800  }
0x83: {  	[sflag:s28] =	ssyncset.done $0x0  }
0x84: {  	[sflag:s28] =	ssyncadd.s32 $0xFFFFD800  }
0x85: {  	_ =	swait.ge [sflag:s28], $0x2800  }
0x86: {  	[sflag:s28] =	ssyncset.done $0x0  }
0x87: {  	s7 =	simm.s32 $0x200;
	s0 =	simm.s32 $0x0;
	[sflag:s28] =	ssyncadd.s32 $0xFFFFD800  }
.LBB2_7:
0x88: {  	p0 =	sne.s32 s7, $0x9E00;
	v0 =	vld [tilespmem:s0+$0x11770]  }
0x89: {  	v1 =	vld [tilespmem:s0+$0x11700]  }
0x8a: {  	v2 =	vld [tilespmem:s0+$0x11710]  }
0x8b: {  	v3 =	vld [tilespmem:s0+$0x11720]  }
0x8c: {  	v4 =	vld [tilespmem:s0+$0x11730]  }
0x8d: {  	[tilespmem:s0+$0x9F70] =	vst.add.f32.msk $0xffff, v0  }
0x8e: {  	v0 =	vld [tilespmem:s0+$0x11740]  }
0x8f: {  	v5 =	vld [tilespmem:s0+$0x11750]  }
0x90: {  	v6 =	vld [tilespmem:s0+$0x11760]  }
0x91: {  	[tilespmem:s0+$0x9F00] =	vst.add.f32.msk $0xffff, v1  }
0x92: {  	[tilespmem:s0+$0x9F10] =	vst.add.f32.msk $0xffff, v2  }
.Ltmp2:
0x93: {  	[tilespmem:s0+$0x9F20] =	vst.add.f32.msk $0xffff, v3;
	(pc) =	sbr.rel @p0 .LBB2_7-.Ltmp2, $4  }
0x94: {  	[tilespmem:s0+$0x9F30] =	vst.add.f32.msk $0xffff, v4  }
0x95: {  	[tilespmem:s0+$0x9F40] =	vst.add.f32.msk $0xffff, v0  }
0x96: {  	[tilespmem:s0+$0x9F50] =	vst.add.f32.msk $0xffff, v5  }
0x97: {  	[tilespmem:s0+$0x9F60] =	vst.add.f32.msk $0xffff, v6;
	s0 =	sshra.s32 s7, $0x2;
	s7 =	sadd.s32 $0x200, s7  }
0x98: {  	v0 =	vld [tilespmem:s0+$0x11770]  }
0x99: {  	v1 =	vld [tilespmem:s0+$0x11700]  }
0x9a: {  	v2 =	vld [tilespmem:s0+$0x11710]  }
0x9b: {  	v3 =	vld [tilespmem:s0+$0x11720]  }
0x9c: {  	v4 =	vld [tilespmem:s0+$0x11730]  }
0x9d: {  	v63 =	vld [tilespmem:s0+$0x11740]  }
0x9e: {  	v5 =	vld [tilespmem:s0+$0x11750]  }
0x9f: {  	v6 =	vld [tilespmem:s0+$0x11760]  }
0xa0: {  	[tilespmem:s0+$0x9F70] =	vst.add.f32.msk $0xffff, v0  }
0xa1: {  	[tilespmem:s0+$0x9F00] =	vst.add.f32.msk $0xffff, v1  }
0xa2: {  	s31 =	sadd.s32 $0x1, s31;
	[tilespmem:s0+$0x9F10] =	vst.add.f32.msk $0xffff, v2  }
0xa3: {  	p0 =	sne.s32 s31, $0x29;
	[tilespmem:s0+$0x9F20] =	vst.add.f32.msk $0xffff, v3  }
.Ltmp3:
0xa4: {  	[tilespmem:s0+$0x9F30] =	vst.add.f32.msk $0xffff, v4;
	(pc) =	sbr.rel @p0 .LBB2_2-.Ltmp3, $4  }
0xa5: {  	s1 =	sadd.s32 s4, s1;
	[tilespmem:s0+$0x9F40] =	vst.add.f32.msk $0xffff, v63  }
0xa6: {  	s1 =	sshll.u32 s1, $0x4;
	[tilespmem:s0+$0x9F50] =	vst.add.f32.msk $0xffff, v5  }
0xa7: {  	s19 =	sadd.s32 s6, s1;
	[tilespmem:s0+$0x9F60] =	vst.add.f32.msk $0xffff, v6  }
0xa8: {  	[hbm4b:s19+s3] =	stream.linear.scatter [tilespmem:s21], [sflag:$0x6], $0x2800, $0x38;
	[tilespmem:$0x13F00] =	vst v63  }
0xa9: {  	_ =	swait.ge [sflag:s23], $0x2800  }
0xaa: {  	[sflag:s23] =	ssyncset.done $0x0  }
0xab: {  	[sflag:s23] =	ssyncadd.s32 $0xFFFFD800  }
0xac: {  	_ =	swait.ge [sflag:s23], $0x2800  }
0xad: {  	[sflag:s23] =	ssyncset.done $0x0  }
0xae: {  	s0 =	simm.s32 $0x0;
	s1 =	simm.s32 $0x200;
	[sflag:s23] =	ssyncadd.s32 $0xFFFFD800  }
.LBB2_10:
0xaf: {  	p0 =	sne.s32 s1, $0x9E00;
	v0 =	vld [tilespmem:s0+$0xC770]  }
0xb0: {  	v1 =	vld [tilespmem:s0+$0xC700]  }
0xb1: {  	v2 =	vld [tilespmem:s0+$0xC710]  }
0xb2: {  	v3 =	vld [tilespmem:s0+$0xC720]  }
0xb3: {  	v4 =	vld [tilespmem:s0+$0xC730]  }
0xb4: {  	[tilespmem:s0+$0x4F70] =	vst.add.f32.msk $0xffff, v0  }
0xb5: {  	v0 =	vld [tilespmem:s0+$0xC740]  }
0xb6: {  	v5 =	vld [tilespmem:s0+$0xC750]  }
0xb7: {  	v6 =	vld [tilespmem:s0+$0xC760]  }
0xb8: {  	[tilespmem:s0+$0x4F00] =	vst.add.f32.msk $0xffff, v1  }
0xb9: {  	[tilespmem:s0+$0x4F10] =	vst.add.f32.msk $0xffff, v2  }
.Ltmp4:
0xba: {  	[tilespmem:s0+$0x4F20] =	vst.add.f32.msk $0xffff, v3;
	(pc) =	sbr.rel @p0 .LBB2_10-.Ltmp4, $4  }
0xbb: {  	[tilespmem:s0+$0x4F30] =	vst.add.f32.msk $0xffff, v4  }
0xbc: {  	[tilespmem:s0+$0x4F40] =	vst.add.f32.msk $0xffff, v0  }
0xbd: {  	[tilespmem:s0+$0x4F50] =	vst.add.f32.msk $0xffff, v5  }
0xbe: {  	[tilespmem:s0+$0x4F60] =	vst.add.f32.msk $0xffff, v6;
	s0 =	sshra.s32 s1, $0x2;
	s1 =	sadd.s32 $0x200, s1  }
0xbf: {  	v0 =	vld [tilespmem:s0+$0xC770]  }
0xc0: {  	v1 =	vld [tilespmem:s0+$0xC700]  }
0xc1: {  	v2 =	vld [tilespmem:s0+$0xC710]  }
0xc2: {  	v3 =	vld [tilespmem:s0+$0xC720]  }
0xc3: {  	v4 =	vld [tilespmem:s0+$0xC730]  }
0xc4: {  	v63 =	vld [tilespmem:s0+$0xC740]  }
0xc5: {  	v5 =	vld [tilespmem:s0+$0xC750]  }
0xc6: {  	v6 =	vld [tilespmem:s0+$0xC760]  }
0xc7: {  	[tilespmem:s0+$0x4F70] =	vst.add.f32.msk $0xffff, v0  }
0xc8: {  	[tilespmem:s0+$0x4F00] =	vst.add.f32.msk $0xffff, v1  }
0xc9: {  	[tilespmem:s0+$0x4F10] =	vst.add.f32.msk $0xffff, v2  }
0xca: {  	[tilespmem:s0+$0x4F20] =	vst.add.f32.msk $0xffff, v3  }
0xcb: {  	[tilespmem:s0+$0x4F30] =	vst.add.f32.msk $0xffff, v4  }
0xcc: {  	[tilespmem:s0+$0x4F40] =	vst.add.f32.msk $0xffff, v63  }
0xcd: {  	[tilespmem:s0+$0x4F50] =	vst.add.f32.msk $0xffff, v5  }
0xce: {  	s31 =	simm.s32 $0x0;
	[tilespmem:s0+$0x4F60] =	vst.add.f32.msk $0xffff, v6  }
0xcf: {  	[hbm4b:s10+s31] =	stream.linear.scatter [tilespmem:s16], [sflag:$0x4], $0x2800, $0x38;
	[tilespmem:$0x13F00] =	vst v63  }
0xd0: {  	_ =	swait.ge [sflag:s25], $0x2800  }
0xd1: {  	[sflag:s25] =	ssyncset.done $0x0  }
0xd2: {  	[sflag:s25] =	ssyncadd.s32 $0xFFFFD800  }
0xd3: {  	_ =	swait.ge [sflag:s25], $0x2800  }
0xd4: {  	[sflag:s25] =	ssyncset.done $0x0  }
0xd5: {  	s1 =	simm.s32 $0x200;
	s0 =	simm.s32 $0x0;
	[sflag:s25] =	ssyncadd.s32 $0xFFFFD800  }
.LBB2_12:
0xd6: {  	p0 =	sne.s32 s1, $0x9E00;
	v0 =	vld [tilespmem:s0+$0xEF70]  }
0xd7: {  	v1 =	vld [tilespmem:s0+$0xEF00]  }
0xd8: {  	v2 =	vld [tilespmem:s0+$0xEF10]  }
0xd9: {  	v3 =	vld [tilespmem:s0+$0xEF20]  }
0xda: {  	v4 =	vld [tilespmem:s0+$0xEF30]  }
0xdb: {  	[tilespmem:s0+$0x7770] =	vst.add.f32.msk $0xffff, v0  }
0xdc: {  	v0 =	vld [tilespmem:s0+$0xEF40]  }
0xdd: {  	v5 =	vld [tilespmem:s0+$0xEF50]  }
0xde: {  	v6 =	vld [tilespmem:s0+$0xEF60]  }
0xdf: {  	[tilespmem:s0+$0x7700] =	vst.add.f32.msk $0xffff, v1  }
0xe0: {  	[tilespmem:s0+$0x7710] =	vst.add.f32.msk $0xffff, v2  }
.Ltmp5:
0xe1: {  	[tilespmem:s0+$0x7720] =	vst.add.f32.msk $0xffff, v3;
	(pc) =	sbr.rel @p0 .LBB2_12-.Ltmp5, $4  }
0xe2: {  	[tilespmem:s0+$0x7730] =	vst.add.f32.msk $0xffff, v4  }
0xe3: {  	[tilespmem:s0+$0x7740] =	vst.add.f32.msk $0xffff, v0  }
0xe4: {  	[tilespmem:s0+$0x7750] =	vst.add.f32.msk $0xffff, v5  }
0xe5: {  	[tilespmem:s0+$0x7760] =	vst.add.f32.msk $0xffff, v6;
	s0 =	sshra.s32 s1, $0x2;
	s1 =	sadd.s32 $0x200, s1  }
0xe6: {  	v0 =	vld [tilespmem:s0+$0xEF70]  }
0xe7: {  	v1 =	vld [tilespmem:s0+$0xEF00]  }
0xe8: {  	v2 =	vld [tilespmem:s0+$0xEF10]  }
0xe9: {  	v3 =	vld [tilespmem:s0+$0xEF20]  }
0xea: {  	v4 =	vld [tilespmem:s0+$0xEF30]  }
0xeb: {  	v63 =	vld [tilespmem:s0+$0xEF40]  }
0xec: {  	v5 =	vld [tilespmem:s0+$0xEF50]  }
0xed: {  	v6 =	vld [tilespmem:s0+$0xEF60]  }
0xee: {  	[tilespmem:s0+$0x7770] =	vst.add.f32.msk $0xffff, v0  }
0xef: {  	[tilespmem:s0+$0x7700] =	vst.add.f32.msk $0xffff, v1  }
0xf0: {  	[tilespmem:s0+$0x7710] =	vst.add.f32.msk $0xffff, v2  }
0xf1: {  	[tilespmem:s0+$0x7720] =	vst.add.f32.msk $0xffff, v3  }
0xf2: {  	[tilespmem:s0+$0x7730] =	vst.add.f32.msk $0xffff, v4  }
0xf3: {  	[tilespmem:s0+$0x7740] =	vst.add.f32.msk $0xffff, v63  }
0xf4: {  	[tilespmem:s0+$0x7750] =	vst.add.f32.msk $0xffff, v5  }
0xf5: {  	[tilespmem:s0+$0x7760] =	vst.add.f32.msk $0xffff, v6  }
0xf6: {  	[hbm4b:s11+s3] =	stream.linear.scatter [tilespmem:s18], [sflag:$0x5], $0x2800, $0x38;
	[tilespmem:$0x13F00] =	vst v63  }
0xf7: {  	_ =	swait.ge [sflag:s29], $0x2800  }
0xf8: {  	[sflag:s29] =	ssyncset.done $0x0  }
0xf9: {  	s30 =	sadd.s32 $0x1, s30;
	[sflag:s29] =	ssyncadd.s32 $0xFFFFD800  }
0xfa: {  	p0 =	sne.s32 s30, s12;
	_ =	swait.ge [sflag:s24], $0x2800  }
.Ltmp6:
0xfb: {  	[sflag:s24] =	ssyncset.done $0x0;
	(pc) =	sbr.rel @p0 .LBB2_1-.Ltmp6, $4  }
0xfc: {  	[sflag:s24] =	ssyncadd.s32 $0xFFFFD800  }
0xfd: {  	_ =	swait.ge [sflag:s26], $0x2800  }
0xfe: {  	[sflag:s26] =	ssyncset.done $0x0  }
0xff: {  	[sflag:s26] =	ssyncadd.s32 $0xFFFFD800  }
0x100: {  	_ =	sfence.sel $0x180000  }
0x101: {  	[bflag:$0x0] =	sbarrier.arrive $0xFFFF  }
0x102: {  	_ =	strace $0x90000047  }
0x103: {  	s0 =	stileid.u32;
	[bflag:$0x2] =	sbarrier.arrive $0xFFFF  }
0x104: {  	p0 =	sne.s32 s0, $0x0;
	s0 =	rddreg [dreg:$0x2]  }
0x105: {  	s0 =	sadd.s32 @!p0 $0x100000, s0  }
0x106: {  	[sflag:s0] =	ssyncadd.tile.s32 @!p0 $0x1;
	_ =	shalt  }
.Lfunc_end2:
_tile_overlayer_lowered:
.L_overlay_start_2:
0x107: {  	(tag) =	ssettag $0x2  }
0x108: {  	s0 =	rddreg [dreg:$0x0];
	s2 =	stileid.u32  }
0x109: {  	s1 =	rddreg [dreg:$0x1];
	p0 =	sne.s32 s2, $0x0  }
0x10a: {  	s3 =	rddreg [dreg:$0x2];
	[bflag:$0x3] =	sbarrier.arrive $0xFFFF;
	s2 =	simm.s32 @!p0 $0x1C07  }
0x10b: {  	[timem:s3], [sflag:s2] =	dma.local @!p0 [hbm:s0], s1  }
0x10c: {  	s0 =	simm.s32 @!p0 $0x7  }
0x10d: {  	_ =	swait.ge @!p0 [sflag:s0], s1  }
0x10e: {  	s1 =	ssub.s32 @!p0 $0x0, s1;
	[sflag:s0] =	ssyncset.done @!p0 $0x0  }
0x10f: {  	[sflag:s0] =	ssyncadd.s32 @!p0 s1  }
0x110: {  	[bflag:$0x3] =	sbarrier.arrive $0xFFFF  }
0x111: {  	_ =	shalt  }

</sc_bundles>
